<compile_context>
chip_gen: v7x
topology: tpu7x:2x2x1
jax: 0.10.2.dev20260603
libtpu: 0.0.44.dev20260713+nightly
codegen_flags: <defaults>
</compile_context>

<pallas_src>
import functools

import jax
import jax.numpy as jnp
from jax import lax
from jax.experimental import pallas as pl
from jax.experimental.pallas import tpu as pltpu
from jax.experimental.pallas import tpu_sc as plsc

N = 10000
D_IN = 128
HID = 128
N_CLS = 64
E = 320000

N_PAD = 10240
E_PAD = 327680
CHUNK = 128
NROWS = E_PAD // CHUNK
N_SC = 2
N_TILE = 16
BLK = 1024

_MESH = dict(core_axis_name="c", subcore_axis_name="s")



def _zero_vmem(ref, nrows, width, dtype=jnp.float32):
    lanes = 32 if dtype == jnp.bfloat16 else 16
    z = jnp.zeros((lanes,), dtype)

    def body(i, _):
        for j in range(width // lanes):
            ref[i, pl.ds(j * lanes, lanes)] = z
        return 0

    lax.fori_loop(0, nrows, body, 0, unroll=False)


def _make_deg():
    ch = NROWS // (N_SC * N_TILE)
    stripe = N_PAD // N_TILE
    mesh = plsc.VectorSubcoreMesh(**_MESH)

    @functools.partial(
        pl.kernel,
        out_type=jax.ShapeDtypeStruct((N_SC, N_PAD, 16), jnp.float32),
        mesh=mesh,
        compiler_params=pltpu.CompilerParams(use_tc_tiling_on_sc=False),
        scratch_types=[
            pltpu.VMEM((ch, CHUNK), jnp.int32),
            pltpu.VMEM((CHUNK, 16), jnp.float32),
            pltpu.VMEM_SHARED((N_PAD, 16), jnp.float32),
        ],
    )
    def deg_kernel(dst_hbm, out_hbm, didx, buf, acc):
        c = lax.axis_index("c")
        s = lax.axis_index("s")
        w = c * N_TILE + s
        pltpu.sync_copy(dst_hbm.at[pl.ds(w * ch, ch)], didx)
        _zero_vmem(buf, CHUNK, 16)
        for k in range(stripe // CHUNK):
            pltpu.sync_copy(buf, acc.at[pl.ds(s * stripe + k * CHUNK, CHUNK)])
        plsc.subcore_barrier()
        one = jnp.ones((16,), jnp.float32)

        def fill(i, _):
            buf[i, pl.ds(0, 16)] = one
            return 0

        lax.fori_loop(0, CHUNK, fill, 0, unroll=False)

        def body(j, _):
            pltpu.sync_copy(buf, acc.at[didx.at[j]], add=True)
            return 0

        lax.fori_loop(0, ch, body, 0, unroll=False)
        plsc.subcore_barrier()
        pltpu.sync_copy(acc.at[pl.ds(s * stripe, stripe)],
                        out_hbm.at[c].at[pl.ds(s * stripe, stripe)])

    return deg_kernel


def _make_prop(width, dtype):
    ch = NROWS // N_TILE
    stripe = N_PAD // N_TILE
    mesh = plsc.VectorSubcoreMesh(**_MESH)

    @functools.partial(
        pl.kernel,
        out_type=jax.ShapeDtypeStruct((N_SC, N_PAD, width), dtype),
        mesh=mesh,
        compiler_params=pltpu.CompilerParams(use_tc_tiling_on_sc=False),
        scratch_types=[
            pltpu.VMEM((ch, CHUNK), jnp.int32),
            pltpu.VMEM((ch, CHUNK), jnp.int32),
            pltpu.VMEM((CHUNK, width), dtype),
            pltpu.VMEM((CHUNK, width), dtype),
            pltpu.VMEM_SHARED((N_PAD, width), dtype),
            pltpu.SemaphoreType.DMA,
            pltpu.SemaphoreType.DMA,
        ],
    )
    def prop_kernel(u_hbm, src_hbm, dst_hbm, out_hbm,
                    sidx, didx, rows0, rows1, acc, sem0, sem1):
        c = lax.axis_index("c")
        s = lax.axis_index("s")
        pltpu.sync_copy(src_hbm.at[pl.ds(s * ch, ch)], sidx)
        pltpu.sync_copy(dst_hbm.at[pl.ds(s * ch, ch)], didx)
        u_c = u_hbm.at[c]
        _zero_vmem(rows0, CHUNK, width, dtype)
        for k in range(stripe // CHUNK):
            pltpu.async_copy(
                rows0, acc.at[pl.ds(s * stripe + k * CHUNK, CHUNK)], sem0)
        for k in range(stripe // CHUNK):
            pltpu.make_async_copy(
                rows0, acc.at[pl.ds(s * stripe + k * CHUNK, CHUNK)], sem0).wait()
        plsc.subcore_barrier()

        bufs = ((rows0, sem0), (rows1, sem1))
        pltpu.async_copy(u_c.at[sidx.at[0]], rows0, sem0)
        pltpu.async_copy(u_c.at[sidx.at[1]], rows1, sem1)

        def body(j2, _):
            for b, (rows, sem) in enumerate(bufs):
                j = j2 * 2 + b
                pltpu.make_async_copy(u_c.at[sidx.at[j]], rows, sem).wait()
                pltpu.sync_copy(rows, acc.at[didx.at[j]], add=True)

                @pl.when(j + 2 < ch)
                def _():
                    pltpu.async_copy(u_c.at[sidx.at[j + 2]], rows, sem)
            return 0

        lax.fori_loop(0, ch // 2, body, 0, unroll=False)
        plsc.subcore_barrier()
        pltpu.sync_copy(acc.at[pl.ds(s * stripe, stripe)],
                        out_hbm.at[c].at[pl.ds(s * stripe, stripe)])

    return prop_kernel



def _tc_a(x_pad, w1, deg2):
    def body(x_ref, w_ref, deg_ref, u_ref, dinv_ref):
        d = deg_ref[0, :, 0:1] + deg_ref[1, :, 0:1] + 1.0
        dinv = lax.rsqrt(d)
        y = jnp.dot(x_ref[...], w_ref[...], preferred_element_type=jnp.float32)
        u = y * dinv
        u_ref[0] = u[:, :64].astype(jnp.bfloat16)
        u_ref[1] = u[:, 64:].astype(jnp.bfloat16)
        dinv_ref[...] = jnp.broadcast_to(dinv, (BLK, 128))

    return pl.pallas_call(
        body,
        grid=(N_PAD // BLK,),
        in_specs=[
            pl.BlockSpec((BLK, 128), lambda i: (i, 0)),
            pl.BlockSpec((128, 128), lambda i: (0, 0)),
            pl.BlockSpec((2, BLK, 16), lambda i: (0, i, 0)),
        ],
        out_specs=[
            pl.BlockSpec((2, BLK, 64), lambda i: (0, i, 0)),
            pl.BlockSpec((BLK, 128), lambda i: (i, 0)),
        ],
        out_shape=[
            jax.ShapeDtypeStruct((2, N_PAD, 64), jnp.bfloat16),
            jax.ShapeDtypeStruct((N_PAD, 128), jnp.float32),
        ],
    )(x_pad, w1, deg2)


def _tc_b(acc1, u1, dinv, w2, b1):
    def body(acc_ref, u1_ref, dinv_ref, w_ref, b_ref, u2_ref):
        s = jnp.concatenate(
            [acc_ref[0].astype(jnp.float32) + u1_ref[0].astype(jnp.float32),
             acc_ref[1].astype(jnp.float32) + u1_ref[1].astype(jnp.float32)],
            axis=1)
        h = jnp.maximum(dinv_ref[...] * s + b_ref[...], 0.0)
        z = jnp.dot(h, w_ref[...], preferred_element_type=jnp.float32)
        u2 = dinv_ref[:, :64] * z
        u2_ref[0] = u2[:, :32].astype(jnp.bfloat16)
        u2_ref[1] = u2[:, 32:].astype(jnp.bfloat16)

    return pl.pallas_call(
        body,
        grid=(N_PAD // BLK,),
        in_specs=[
            pl.BlockSpec((2, BLK, 64), lambda i: (0, i, 0)),
            pl.BlockSpec((2, BLK, 64), lambda i: (0, i, 0)),
            pl.BlockSpec((BLK, 128), lambda i: (i, 0)),
            pl.BlockSpec((128, 64), lambda i: (0, 0)),
            pl.BlockSpec((1, 128), lambda i: (0, 0)),
        ],
        out_specs=pl.BlockSpec((2, BLK, 32), lambda i: (0, i, 0)),
        out_shape=jax.ShapeDtypeStruct((2, N_PAD, 32), jnp.bfloat16),
    )(acc1, u1, dinv, w2, b1)


def _tc_c(acc2, u2, dinv, b2):
    def body(acc_ref, u2_ref, dinv_ref, b_ref, out_ref):
        s = jnp.concatenate(
            [acc_ref[0].astype(jnp.float32) + u2_ref[0].astype(jnp.float32),
             acc_ref[1].astype(jnp.float32) + u2_ref[1].astype(jnp.float32)],
            axis=1)
        out_ref[...] = dinv_ref[:, :64] * s + b_ref[...]

    return pl.pallas_call(
        body,
        grid=(N_PAD // BLK,),
        in_specs=[
            pl.BlockSpec((2, BLK, 32), lambda i: (0, i, 0)),
            pl.BlockSpec((2, BLK, 32), lambda i: (0, i, 0)),
            pl.BlockSpec((BLK, 128), lambda i: (i, 0)),
            pl.BlockSpec((1, 64), lambda i: (0, 0)),
        ],
        out_specs=pl.BlockSpec((BLK, 64), lambda i: (i, 0)),
        out_shape=jax.ShapeDtypeStruct((N_PAD, 64), jnp.float32),
    )(acc2, u2, dinv, b2)



def kernel(x, edge_index, W1, b1, W2, b2):
    pad = jnp.full((E_PAD - E,), N, dtype=jnp.int32)
    src2d = jnp.concatenate([edge_index[0], pad]).reshape(NROWS, CHUNK)
    dst2d = jnp.concatenate([edge_index[1], pad]).reshape(NROWS, CHUNK)
    x_pad = jnp.pad(x, ((0, N_PAD - N), (0, 0)))

    deg2 = _make_deg()(dst2d)
    u1, dinv = _tc_a(x_pad, W1, deg2)
    acc1 = _make_prop(64, jnp.bfloat16)(u1, src2d, dst2d)
    u2 = _tc_b(acc1, u1, dinv, W2, b1.reshape(1, HID))
    acc2 = _make_prop(32, jnp.bfloat16)(u2, src2d, dst2d)
    out = _tc_c(acc2, u2, dinv, b2.reshape(1, N_CLS))
    return out[:N]

# --- scband reference (transcript-rebuilt; emitter-appended) ---
"""Pipeline reference for scband-gcnnet-83502754169548 (READ-ONLY COPY).

The authoritative reference and input builder live on the scoring server;
editing this copy changes nothing except your own understanding.
"""

import jax, jax.numpy as jnp
import numpy as np

N = 10000
E = 320000
D_IN = 128
HID = 128
N_CLS = 64


def setup_inputs(seed: int = 0) -> dict:
    key = jax.random.key(seed)
    ks = jax.random.split(key, 6)
    x = jax.random.normal(ks[0], (N, D_IN), dtype=jnp.float32)
    edge_index = jax.random.randint(ks[1], (2, E), 0, N, dtype=jnp.int32)
    W1 = jax.random.normal(ks[2], (D_IN, HID), dtype=jnp.float32) * (1.0 / np.sqrt(D_IN))
    b1 = jnp.zeros((HID,), dtype=jnp.float32)
    W2 = jax.random.normal(ks[3], (HID, N_CLS), dtype=jnp.float32) * (1.0 / np.sqrt(HID))
    b2 = jnp.zeros((N_CLS,), dtype=jnp.float32)
    return {"x": x, "edge_index": edge_index, "W1": W1, "b1": b1, "W2": W2, "b2": b2}


def _gcn_conv(x, src, dst, W, b):
    # PyG GCNConv: symmetric normalization with self-loops already appended to src/dst.
    n = x.shape[0]
    ones = jnp.ones(src.shape[0], dtype=x.dtype)
    deg = jax.ops.segment_sum(ones, dst, num_segments=n)
    dinv = jnp.where(deg > 0, 1.0 / jnp.sqrt(deg), 0.0)
    norm = dinv[src] * dinv[dst]
    h = x @ W
    msg = h[src] * norm[:, None]
    out = jax.ops.segment_sum(msg, dst, num_segments=n)
    return out + b


def reference(x, edge_index, W1, b1, W2, b2):
    n = x.shape[0]
    loops = jnp.arange(n, dtype=edge_index.dtype)
    src = jnp.concatenate([edge_index[0], loops])
    dst = jnp.concatenate([edge_index[1], loops])
    h = _gcn_conv(x, src, dst, W1, b1)
    h = jax.nn.relu(h)
    # F.dropout(p=0.5, training=self.training) is identity in eval mode
    out = _gcn_conv(h, src, dst, W2, b2)
    return out

if __name__ == "__main__":
    import jax
    _d = setup_inputs()
    print(jax.jit(kernel)(*tuple(_d.values())))

</pallas_src>

<mosaic_0001>
#map = affine_map<(d0, d1) -> (0, 0, 0)>
#map1 = affine_map<(d0, d1) -> (0, 0)>
module attributes {stable_mosaic.version = 14 : i64} {
  func.func @prop_kernel(%arg0: i32, %arg1: i32, %arg2: memref<2x10240x32xbf16, #tpu.memory_space<hbm>>, %arg3: memref<2560x128xi32, #tpu.memory_space<hbm>>, %arg4: memref<2560x128xi32, #tpu.memory_space<hbm>>, %arg5: memref<2x10240x32xbf16, #tpu.memory_space<hbm>>, %arg6: memref<160x128xi32, #tpu.memory_space<vmem>>, %arg7: memref<160x128xi32, #tpu.memory_space<vmem>>, %arg8: memref<128x32xbf16, #tpu.memory_space<vmem>>, %arg9: memref<128x32xbf16, #tpu.memory_space<vmem>>, %arg10: memref<10240x32xbf16, #tpu.memory_space<vmem_shared>>, %arg11: memref<!tpu.dma_semaphore, #tpu.memory_space<semaphore_mem>>, %arg12: memref<!tpu.dma_semaphore, #tpu.memory_space<semaphore_mem>>) attributes {dimension_semantics = [#tpu.dimension_semantics<core_parallel>, #tpu.dimension_semantics<subcore_parallel>], iteration_bounds = array<i64: 2, 16>, scalar_prefetch = 0 : i64, scratch_operands = 7 : i64, tpu.core_type = #tpu.core_type<sc_vector_subcore>, window_params = [{transform_indices = #map}, {transform_indices = #map1}, {transform_indices = #map1}, {transform_indices = #map}]} {
    %mul3A = arith.constant 160 : i32
    %mul3A_0 = arith.muli %arg1, %mul3A : i32
    "tpu.region"() ({
      %run_scoped3A = tpu.sem_alloc : memref<!tpu.dma_semaphore, #tpu.memory_space<semaphore_mem>>
      %dma_start3A_121 = arith.constant 0 : i32
      %dma_start3A_122 = tpu.memref_slice %arg3[%mul3A_0, %dma_start3A_121] : memref<2560x128xi32, #tpu.memory_space<hbm>> -> memref<160x128xi32, #tpu.memory_space<hbm>>
      %dma_start3A_123 = arith.constant 0 : i32
      %dma_start3A_124 = tpu.memref_slice %arg3[%mul3A_0, %dma_start3A_123] : memref<2560x128xi32, #tpu.memory_space<hbm>> -> memref<160x128xi32, #tpu.memory_space<hbm>>
      tpu.enqueue_dma source(%dma_start3A_124 : memref<160x128xi32, #tpu.memory_space<hbm>>) target(%arg6 : memref<160x128xi32, #tpu.memory_space<vmem>>) target_semaphore(%run_scoped3A : memref<!tpu.dma_semaphore, #tpu.memory_space<semaphore_mem>>)
      %dma_wait3A_125 = arith.constant 0 : i32
      %dma_wait3A_126 = tpu.memref_slice %arg3[%mul3A_0, %dma_wait3A_125] : memref<2560x128xi32, #tpu.memory_space<hbm>> -> memref<160x128xi32, #tpu.memory_space<hbm>>
      %dma_wait3A_127 = arith.constant 0 : i32
      %dma_wait3A_128 = tpu.memref_slice %arg3[%mul3A_0, %dma_wait3A_127] : memref<2560x128xi32, #tpu.memory_space<hbm>> -> memref<160x128xi32, #tpu.memory_space<hbm>>
      tpu.wait_dma2 semaphore(%run_scoped3A : memref<!tpu.dma_semaphore, #tpu.memory_space<semaphore_mem>>) src(%dma_wait3A_128 : memref<160x128xi32, #tpu.memory_space<hbm>>) dst(%arg6 : memref<160x128xi32, #tpu.memory_space<vmem>>)
      tpu.yield
    }) : () -> ()
    %mul3A_1 = arith.constant 160 : i32
    %mul3A_2 = arith.muli %arg1, %mul3A_1 : i32
    "tpu.region"() ({
      %run_scoped3A = tpu.sem_alloc : memref<!tpu.dma_semaphore, #tpu.memory_space<semaphore_mem>>
      %dma_start3A_121 = arith.constant 0 : i32
      %dma_start3A_122 = tpu.memref_slice %arg4[%mul3A_2, %dma_start3A_121] : memref<2560x128xi32, #tpu.memory_space<hbm>> -> memref<160x128xi32, #tpu.memory_space<hbm>>
      %dma_start3A_123 = arith.constant 0 : i32
      %dma_start3A_124 = tpu.memref_slice %arg4[%mul3A_2, %dma_start3A_123] : memref<2560x128xi32, #tpu.memory_space<hbm>> -> memref<160x128xi32, #tpu.memory_space<hbm>>
      tpu.enqueue_dma source(%dma_start3A_124 : memref<160x128xi32, #tpu.memory_space<hbm>>) target(%arg7 : memref<160x128xi32, #tpu.memory_space<vmem>>) target_semaphore(%run_scoped3A : memref<!tpu.dma_semaphore, #tpu.memory_space<semaphore_mem>>)
      %dma_wait3A_125 = arith.constant 0 : i32
      %dma_wait3A_126 = tpu.memref_slice %arg4[%mul3A_2, %dma_wait3A_125] : memref<2560x128xi32, #tpu.memory_space<hbm>> -> memref<160x128xi32, #tpu.memory_space<hbm>>
      %dma_wait3A_127 = arith.constant 0 : i32
      %dma_wait3A_128 = tpu.memref_slice %arg4[%mul3A_2, %dma_wait3A_127] : memref<2560x128xi32, #tpu.memory_space<hbm>> -> memref<160x128xi32, #tpu.memory_space<hbm>>
      tpu.wait_dma2 semaphore(%run_scoped3A : memref<!tpu.dma_semaphore, #tpu.memory_space<semaphore_mem>>) src(%dma_wait3A_128 : memref<160x128xi32, #tpu.memory_space<hbm>>) dst(%arg7 : memref<160x128xi32, #tpu.memory_space<vmem>>)
      tpu.yield
    }) : () -> ()
    %broadcast_in_dim3A = arith.constant 0.000000e+00 : bf16
    %broadcast_in_dim3A_3 = vector.broadcast %broadcast_in_dim3A : bf16 to vector<32xbf16>
    %scan3A = arith.constant 0 : i32
    %scan3A_4 = arith.constant 0 : i32
    %scan3A_5 = arith.constant 128 : i32
    %scan3A_6 = arith.addi %scan3A_4, %scan3A_5 : i32
    %scan3A_7 = arith.constant 1 : i32
    %scan3A_8 = scf.for %scan3A_121 = %scan3A_4 to %scan3A_6 step %scan3A_7 iter_args(%scan3A_122 = %scan3A) -> (i32)  : i32 {
      %swap3A = arith.index_cast %scan3A_121 : i32 to index
      %swap3A_123 = arith.constant 0 : index
      %swap3A_124 = tpu.vector_load %arg8[%swap3A, %swap3A_123] {strides = array<i32>} : memref<128x32xbf16, #tpu.memory_space<vmem>>, vector<1x32xbf16>,
      %swap3A_125 = vector.shape_cast %swap3A_124 : vector<1x32xbf16> to vector<32xbf16>
      %swap3A_126 = vector.shape_cast %broadcast_in_dim3A_3 : vector<32xbf16> to vector<1x32xbf16>
      tpu.vector_store %arg8[%swap3A, %swap3A_123], %swap3A_126 {strides = array<i32>} : memref<128x32xbf16, #tpu.memory_space<vmem>>, vector<1x32xbf16>,
      %scan3A_127 = arith.constant 0 : i32
      scf.yield %scan3A_127 : i32
    }
    %scan3A_9 = arith.constant 128 : i32
    %mul3A_10 = arith.constant 640 : i32
    %mul3A_11 = arith.muli %arg1, %mul3A_10 : i32
    %add3A = arith.constant 0 : i32
    %add3A_12 = arith.addi %mul3A_11, %add3A : i32
    %dma_start3A = arith.constant 0 : i32
    %dma_start3A_13 = tpu.memref_slice %arg10[%add3A_12, %dma_start3A] : memref<10240x32xbf16, #tpu.memory_space<vmem_shared>> -> memref<128x32xbf16, #tpu.memory_space<vmem_shared>>
    %dma_start3A_14 = arith.constant 0 : i32
    %dma_start3A_15 = tpu.memref_slice %arg10[%add3A_12, %dma_start3A_14] : memref<10240x32xbf16, #tpu.memory_space<vmem_shared>> -> memref<128x32xbf16, #tpu.memory_space<vmem_shared>>
    tpu.enqueue_dma source(%arg8 : memref<128x32xbf16, #tpu.memory_space<vmem>>) target(%dma_start3A_15 : memref<128x32xbf16, #tpu.memory_space<vmem_shared>>) target_semaphore(%arg11 : memref<!tpu.dma_semaphore, #tpu.memory_space<semaphore_mem>>)
    %mul3A_16 = arith.constant 640 : i32
    %mul3A_17 = arith.muli %arg1, %mul3A_16 : i32
    %add3A_18 = arith.constant 128 : i32
    %add3A_19 = arith.addi %mul3A_17, %add3A_18 : i32
    %dma_start3A_20 = arith.constant 0 : i32
    %dma_start3A_21 = tpu.memref_slice %arg10[%add3A_19, %dma_start3A_20] : memref<10240x32xbf16, #tpu.memory_space<vmem_shared>> -> memref<128x32xbf16, #tpu.memory_space<vmem_shared>>
    %dma_start3A_22 = arith.constant 0 : i32
    %dma_start3A_23 = tpu.memref_slice %arg10[%add3A_19, %dma_start3A_22] : memref<10240x32xbf16, #tpu.memory_space<vmem_shared>> -> memref<128x32xbf16, #tpu.memory_space<vmem_shared>>
    tpu.enqueue_dma source(%arg8 : memref<128x32xbf16, #tpu.memory_space<vmem>>) target(%dma_start3A_23 : memref<128x32xbf16, #tpu.memory_space<vmem_shared>>) target_semaphore(%arg11 : memref<!tpu.dma_semaphore, #tpu.memory_space<semaphore_mem>>)
    %mul3A_24 = arith.constant 640 : i32
    %mul3A_25 = arith.muli %arg1, %mul3A_24 : i32
    %add3A_26 = arith.constant 256 : i32
    %add3A_27 = arith.addi %mul3A_25, %add3A_26 : i32
    %dma_start3A_28 = arith.constant 0 : i32
    %dma_start3A_29 = tpu.memref_slice %arg10[%add3A_27, %dma_start3A_28] : memref<10240x32xbf16, #tpu.memory_space<vmem_shared>> -> memref<128x32xbf16, #tpu.memory_space<vmem_shared>>
    %dma_start3A_30 = arith.constant 0 : i32
    %dma_start3A_31 = tpu.memref_slice %arg10[%add3A_27, %dma_start3A_30] : memref<10240x32xbf16, #tpu.memory_space<vmem_shared>> -> memref<128x32xbf16, #tpu.memory_space<vmem_shared>>
    tpu.enqueue_dma source(%arg8 : memref<128x32xbf16, #tpu.memory_space<vmem>>) target(%dma_start3A_31 : memref<128x32xbf16, #tpu.memory_space<vmem_shared>>) target_semaphore(%arg11 : memref<!tpu.dma_semaphore, #tpu.memory_space<semaphore_mem>>)
    %mul3A_32 = arith.constant 640 : i32
    %mul3A_33 = arith.muli %arg1, %mul3A_32 : i32
    %add3A_34 = arith.constant 384 : i32
    %add3A_35 = arith.addi %mul3A_33, %add3A_34 : i32
    %dma_start3A_36 = arith.constant 0 : i32
    %dma_start3A_37 = tpu.memref_slice %arg10[%add3A_35, %dma_start3A_36] : memref<10240x32xbf16, #tpu.memory_space<vmem_shared>> -> memref<128x32xbf16, #tpu.memory_space<vmem_shared>>
    %dma_start3A_38 = arith.constant 0 : i32
    %dma_start3A_39 = tpu.memref_slice %arg10[%add3A_35, %dma_start3A_38] : memref<10240x32xbf16, #tpu.memory_space<vmem_shared>> -> memref<128x32xbf16, #tpu.memory_space<vmem_shared>>
    tpu.enqueue_dma source(%arg8 : memref<128x32xbf16, #tpu.memory_space<vmem>>) target(%dma_start3A_39 : memref<128x32xbf16, #tpu.memory_space<vmem_shared>>) target_semaphore(%arg11 : memref<!tpu.dma_semaphore, #tpu.memory_space<semaphore_mem>>)
    %mul3A_40 = arith.constant 640 : i32
    %mul3A_41 = arith.muli %arg1, %mul3A_40 : i32
    %add3A_42 = arith.constant 512 : i32
    %add3A_43 = arith.addi %mul3A_41, %add3A_42 : i32
    %dma_start3A_44 = arith.constant 0 : i32
    %dma_start3A_45 = tpu.memref_slice %arg10[%add3A_43, %dma_start3A_44] : memref<10240x32xbf16, #tpu.memory_space<vmem_shared>> -> memref<128x32xbf16, #tpu.memory_space<vmem_shared>>
    %dma_start3A_46 = arith.constant 0 : i32
    %dma_start3A_47 = tpu.memref_slice %arg10[%add3A_43, %dma_start3A_46] : memref<10240x32xbf16, #tpu.memory_space<vmem_shared>> -> memref<128x32xbf16, #tpu.memory_space<vmem_shared>>
    tpu.enqueue_dma source(%arg8 : memref<128x32xbf16, #tpu.memory_space<vmem>>) target(%dma_start3A_47 : memref<128x32xbf16, #tpu.memory_space<vmem_shared>>) target_semaphore(%arg11 : memref<!tpu.dma_semaphore, #tpu.memory_space<semaphore_mem>>)
    %mul3A_48 = arith.constant 640 : i32
    %mul3A_49 = arith.muli %arg1, %mul3A_48 : i32
    %add3A_50 = arith.constant 0 : i32
    %add3A_51 = arith.addi %mul3A_49, %add3A_50 : i32
    %dma_wait3A = arith.constant 0 : i32
    %dma_wait3A_52 = tpu.memref_slice %arg10[%add3A_51, %dma_wait3A] : memref<10240x32xbf16, #tpu.memory_space<vmem_shared>> -> memref<128x32xbf16, #tpu.memory_space<vmem_shared>>
    %dma_wait3A_53 = arith.constant 0 : i32
    %dma_wait3A_54 = tpu.memref_slice %arg10[%add3A_51, %dma_wait3A_53] : memref<10240x32xbf16, #tpu.memory_space<vmem_shared>> -> memref<128x32xbf16, #tpu.memory_space<vmem_shared>>
    tpu.wait_dma2 semaphore(%arg11 : memref<!tpu.dma_semaphore, #tpu.memory_space<semaphore_mem>>) src(%arg8 : memref<128x32xbf16, #tpu.memory_space<vmem>>) dst(%dma_wait3A_54 : memref<128x32xbf16, #tpu.memory_space<vmem_shared>>)
    %mul3A_55 = arith.constant 640 : i32
    %mul3A_56 = arith.muli %arg1, %mul3A_55 : i32
    %add3A_57 = arith.constant 128 : i32
    %add3A_58 = arith.addi %mul3A_56, %add3A_57 : i32
    %dma_wait3A_59 = arith.constant 0 : i32
    %dma_wait3A_60 = tpu.memref_slice %arg10[%add3A_58, %dma_wait3A_59] : memref<10240x32xbf16, #tpu.memory_space<vmem_shared>> -> memref<128x32xbf16, #tpu.memory_space<vmem_shared>>
    %dma_wait3A_61 = arith.constant 0 : i32
    %dma_wait3A_62 = tpu.memref_slice %arg10[%add3A_58, %dma_wait3A_61] : memref<10240x32xbf16, #tpu.memory_space<vmem_shared>> -> memref<128x32xbf16, #tpu.memory_space<vmem_shared>>
    tpu.wait_dma2 semaphore(%arg11 : memref<!tpu.dma_semaphore, #tpu.memory_space<semaphore_mem>>) src(%arg8 : memref<128x32xbf16, #tpu.memory_space<vmem>>) dst(%dma_wait3A_62 : memref<128x32xbf16, #tpu.memory_space<vmem_shared>>)
    %mul3A_63 = arith.constant 640 : i32
    %mul3A_64 = arith.muli %arg1, %mul3A_63 : i32
    %add3A_65 = arith.constant 256 : i32
    %add3A_66 = arith.addi %mul3A_64, %add3A_65 : i32
    %dma_wait3A_67 = arith.constant 0 : i32
    %dma_wait3A_68 = tpu.memref_slice %arg10[%add3A_66, %dma_wait3A_67] : memref<10240x32xbf16, #tpu.memory_space<vmem_shared>> -> memref<128x32xbf16, #tpu.memory_space<vmem_shared>>
    %dma_wait3A_69 = arith.constant 0 : i32
    %dma_wait3A_70 = tpu.memref_slice %arg10[%add3A_66, %dma_wait3A_69] : memref<10240x32xbf16, #tpu.memory_space<vmem_shared>> -> memref<128x32xbf16, #tpu.memory_space<vmem_shared>>
    tpu.wait_dma2 semaphore(%arg11 : memref<!tpu.dma_semaphore, #tpu.memory_space<semaphore_mem>>) src(%arg8 : memref<128x32xbf16, #tpu.memory_space<vmem>>) dst(%dma_wait3A_70 : memref<128x32xbf16, #tpu.memory_space<vmem_shared>>)
    %mul3A_71 = arith.constant 640 : i32
    %mul3A_72 = arith.muli %arg1, %mul3A_71 : i32
    %add3A_73 = arith.constant 384 : i32
    %add3A_74 = arith.addi %mul3A_72, %add3A_73 : i32
    %dma_wait3A_75 = arith.constant 0 : i32
    %dma_wait3A_76 = tpu.memref_slice %arg10[%add3A_74, %dma_wait3A_75] : memref<10240x32xbf16, #tpu.memory_space<vmem_shared>> -> memref<128x32xbf16, #tpu.memory_space<vmem_shared>>
    %dma_wait3A_77 = arith.constant 0 : i32
    %dma_wait3A_78 = tpu.memref_slice %arg10[%add3A_74, %dma_wait3A_77] : memref<10240x32xbf16, #tpu.memory_space<vmem_shared>> -> memref<128x32xbf16, #tpu.memory_space<vmem_shared>>
    tpu.wait_dma2 semaphore(%arg11 : memref<!tpu.dma_semaphore, #tpu.memory_space<semaphore_mem>>) src(%arg8 : memref<128x32xbf16, #tpu.memory_space<vmem>>) dst(%dma_wait3A_78 : memref<128x32xbf16, #tpu.memory_space<vmem_shared>>)
    %mul3A_79 = arith.constant 640 : i32
    %mul3A_80 = arith.muli %arg1, %mul3A_79 : i32
    %add3A_81 = arith.constant 512 : i32
    %add3A_82 = arith.addi %mul3A_80, %add3A_81 : i32
    %dma_wait3A_83 = arith.constant 0 : i32
    %dma_wait3A_84 = tpu.memref_slice %arg10[%add3A_82, %dma_wait3A_83] : memref<10240x32xbf16, #tpu.memory_space<vmem_shared>> -> memref<128x32xbf16, #tpu.memory_space<vmem_shared>>
    %dma_wait3A_85 = arith.constant 0 : i32
    %dma_wait3A_86 = tpu.memref_slice %arg10[%add3A_82, %dma_wait3A_85] : memref<10240x32xbf16, #tpu.memory_space<vmem_shared>> -> memref<128x32xbf16, #tpu.memory_space<vmem_shared>>
    tpu.wait_dma2 semaphore(%arg11 : memref<!tpu.dma_semaphore, #tpu.memory_space<semaphore_mem>>) src(%arg8 : memref<128x32xbf16, #tpu.memory_space<vmem>>) dst(%dma_wait3A_86 : memref<128x32xbf16, #tpu.memory_space<vmem_shared>>)
    %barrier3A = arith.constant 0 : index
    tpu.barrier barrier_id(%barrier3A)
    %dma_start3A_87 = arith.constant 0 : i32
    %dma_start3A_88 = arith.constant 0 : i32
    %dma_start3A_89 = tpu.memref_slice %arg6[%dma_start3A_87, %dma_start3A_88] : memref<160x128xi32, #tpu.memory_space<vmem>> -> memref<1x128xi32, #tpu.memory_space<vmem>>
    %dma_start3A_90 = tpu.memref_squeeze %dma_start3A_89 : memref<1x128xi32, #tpu.memory_space<vmem>> -> memref<128xi32, #tpu.memory_space<vmem>>
    %dma_start3A_91 = arith.constant 0 : i32
    %dma_start3A_92 = arith.constant 0 : i32
    %dma_start3A_93 = tpu.memref_slice %arg2[%arg0, %dma_start3A_91, %dma_start3A_92] : memref<2x10240x32xbf16, #tpu.memory_space<hbm>> -> memref<1x10240x32xbf16, #tpu.memory_space<hbm>>
    %dma_start3A_94 = tpu.memref_squeeze %dma_start3A_93 : memref<1x10240x32xbf16, #tpu.memory_space<hbm>> -> memref<10240x32xbf16, #tpu.memory_space<hbm>>
    %dma_start3A_95 = arith.constant 0 : i32
    %dma_start3A_96 = arith.constant 0 : i32
    %dma_start3A_97 = tpu.memref_slice %dma_start3A_94[%dma_start3A_95, %dma_start3A_96] : memref<10240x32xbf16, #tpu.memory_space<hbm>> -> memref<10240x32xbf16, #tpu.memory_space<hbm>>
    tpu.enqueue_indirect_dma source(%dma_start3A_97 : memref<10240x32xbf16, #tpu.memory_space<hbm>>) target(%arg8 : memref<128x32xbf16, #tpu.memory_space<vmem>>) offsets(%dma_start3A_90 : memref<128xi32, #tpu.memory_space<vmem>>) semaphore(%arg11 : memref<!tpu.dma_semaphore, #tpu.memory_space<semaphore_mem>>)
    %dma_start3A_98 = arith.constant 1 : i32
    %dma_start3A_99 = arith.constant 0 : i32
    %dma_start3A_100 = tpu.memref_slice %arg6[%dma_start3A_98, %dma_start3A_99] : memref<160x128xi32, #tpu.memory_space<vmem>> -> memref<1x128xi32, #tpu.memory_space<vmem>>
    %dma_start3A_101 = tpu.memref_squeeze %dma_start3A_100 : memref<1x128xi32, #tpu.memory_space<vmem>> -> memref<128xi32, #tpu.memory_space<vmem>>
    %dma_start3A_102 = arith.constant 0 : i32
    %dma_start3A_103 = arith.constant 0 : i32
    %dma_start3A_104 = tpu.memref_slice %arg2[%arg0, %dma_start3A_102, %dma_start3A_103] : memref<2x10240x32xbf16, #tpu.memory_space<hbm>> -> memref<1x10240x32xbf16, #tpu.memory_space<hbm>>
    %dma_start3A_105 = tpu.memref_squeeze %dma_start3A_104 : memref<1x10240x32xbf16, #tpu.memory_space<hbm>> -> memref<10240x32xbf16, #tpu.memory_space<hbm>>
    %dma_start3A_106 = arith.constant 0 : i32
    %dma_start3A_107 = arith.constant 0 : i32
    %dma_start3A_108 = tpu.memref_slice %dma_start3A_105[%dma_start3A_106, %dma_start3A_107] : memref<10240x32xbf16, #tpu.memory_space<hbm>> -> memref<10240x32xbf16, #tpu.memory_space<hbm>>
    tpu.enqueue_indirect_dma source(%dma_start3A_108 : memref<10240x32xbf16, #tpu.memory_space<hbm>>) target(%arg9 : memref<128x32xbf16, #tpu.memory_space<vmem>>) offsets(%dma_start3A_101 : memref<128xi32, #tpu.memory_space<vmem>>) semaphore(%arg12 : memref<!tpu.dma_semaphore, #tpu.memory_space<semaphore_mem>>)
    %scan3A_109 = arith.constant 0 : i32
    %scan3A_110 = arith.constant 0 : i32
    %scan3A_111 = arith.constant 80 : i32
    %scan3A_112 = arith.addi %scan3A_110, %scan3A_111 : i32
    %scan3A_113 = arith.constant 1 : i32
    %scan3A_114 = scf.for %scan3A_121 = %scan3A_110 to %scan3A_112 step %scan3A_113 iter_args(%scan3A_122 = %scan3A_109) -> (i32)  : i32 {
      %mul3A_123 = arith.constant 2 : i32
      %mul3A_124 = arith.muli %scan3A_121, %mul3A_123 : i32
      %add3A_125 = arith.constant 0 : i32
      %add3A_126 = arith.addi %mul3A_124, %add3A_125 : i32
      %dma_wait3A_127 = arith.constant 0 : i32
      %dma_wait3A_128 = tpu.memref_slice %arg6[%add3A_126, %dma_wait3A_127] : memref<160x128xi32, #tpu.memory_space<vmem>> -> memref<1x128xi32, #tpu.memory_space<vmem>>
      %dma_wait3A_129 = tpu.memref_squeeze %dma_wait3A_128 : memref<1x128xi32, #tpu.memory_space<vmem>> -> memref<128xi32, #tpu.memory_space<vmem>>
      %dma_wait3A_130 = arith.constant 0 : i32
      %dma_wait3A_131 = arith.constant 0 : i32
      %dma_wait3A_132 = tpu.memref_slice %arg2[%arg0, %dma_wait3A_130, %dma_wait3A_131] : memref<2x10240x32xbf16, #tpu.memory_space<hbm>> -> memref<1x10240x32xbf16, #tpu.memory_space<hbm>>
      %dma_wait3A_133 = tpu.memref_squeeze %dma_wait3A_132 : memref<1x10240x32xbf16, #tpu.memory_space<hbm>> -> memref<10240x32xbf16, #tpu.memory_space<hbm>>
      %dma_wait3A_134 = arith.constant 0 : i32
      %dma_wait3A_135 = arith.constant 0 : i32
      %dma_wait3A_136 = tpu.memref_slice %dma_wait3A_133[%dma_wait3A_134, %dma_wait3A_135] : memref<10240x32xbf16, #tpu.memory_space<hbm>> -> memref<10240x32xbf16, #tpu.memory_space<hbm>>
      tpu.wait_indirect_dma semaphore(%arg11 : memref<!tpu.dma_semaphore, #tpu.memory_space<semaphore_mem>>) src(%dma_wait3A_136 : memref<10240x32xbf16, #tpu.memory_space<hbm>>) dst(%arg8 : memref<128x32xbf16, #tpu.memory_space<vmem>>)
      "tpu.region"() ({
        %run_scoped3A = tpu.sem_alloc : memref<!tpu.dma_semaphore, #tpu.memory_space<semaphore_mem>>
        %dma_start3A_163 = arith.constant 0 : i32
        %dma_start3A_164 = tpu.memref_slice %arg7[%add3A_126, %dma_start3A_163] : memref<160x128xi32, #tpu.memory_space<vmem>> -> memref<1x128xi32, #tpu.memory_space<vmem>>
        %dma_start3A_165 = tpu.memref_squeeze %dma_start3A_164 : memref<1x128xi32, #tpu.memory_space<vmem>> -> memref<128xi32, #tpu.memory_space<vmem>>
        %dma_start3A_166 = arith.constant 0 : i32
        %dma_start3A_167 = arith.constant 0 : i32
        %dma_start3A_168 = tpu.memref_slice %arg10[%dma_start3A_166, %dma_start3A_167] : memref<10240x32xbf16, #tpu.memory_space<vmem_shared>> -> memref<10240x32xbf16, #tpu.memory_space<vmem_shared>>
        tpu.enqueue_indirect_dma source(%arg8 : memref<128x32xbf16, #tpu.memory_space<vmem>>) target(%dma_start3A_168 : memref<10240x32xbf16, #tpu.memory_space<vmem_shared>>) offsets(%dma_start3A_165 : memref<128xi32, #tpu.memory_space<vmem>>) semaphore(%run_scoped3A : memref<!tpu.dma_semaphore, #tpu.memory_space<semaphore_mem>>) {add = true}
        %dma_wait3A_169 = arith.constant 0 : i32
        %dma_wait3A_170 = tpu.memref_slice %arg7[%add3A_126, %dma_wait3A_169] : memref<160x128xi32, #tpu.memory_space<vmem>> -> memref<1x128xi32, #tpu.memory_space<vmem>>
        %dma_wait3A_171 = tpu.memref_squeeze %dma_wait3A_170 : memref<1x128xi32, #tpu.memory_space<vmem>> -> memref<128xi32, #tpu.memory_space<vmem>>
        %dma_wait3A_172 = arith.constant 0 : i32
        %dma_wait3A_173 = arith.constant 0 : i32
        %dma_wait3A_174 = tpu.memref_slice %arg10[%dma_wait3A_172, %dma_wait3A_173] : memref<10240x32xbf16, #tpu.memory_space<vmem_shared>> -> memref<10240x32xbf16, #tpu.memory_space<vmem_shared>>
        tpu.wait_indirect_dma semaphore(%run_scoped3A : memref<!tpu.dma_semaphore, #tpu.memory_space<semaphore_mem>>) src(%arg8 : memref<128x32xbf16, #tpu.memory_space<vmem>>) dst(%dma_wait3A_174 : memref<10240x32xbf16, #tpu.memory_space<vmem_shared>>)
        tpu.yield
      }) : () -> ()
      %add3A_137 = arith.constant 2 : i32
      %add3A_138 = arith.addi %add3A_126, %add3A_137 : i32
      %lt3A = arith.constant 160 : i32
      %lt3A_139 = arith.cmpi slt, %add3A_138, %lt3A : i32
      %convert_element_type3A = arith.extui %lt3A_139 : i1 to i32
      %cond3A = arith.constant 0 : i32
      %cond3A_140 = arith.cmpi ne, %convert_element_type3A, %cond3A : i32
      scf.if %cond3A_140 {
        %add3A_163 = arith.constant 2 : i32
        %add3A_164 = arith.addi %add3A_126, %add3A_163 : i32
        %dma_start3A_165 = arith.constant 0 : i32
        %dma_start3A_166 = tpu.memref_slice %arg6[%add3A_164, %dma_start3A_165] : memref<160x128xi32, #tpu.memory_space<vmem>> -> memref<1x128xi32, #tpu.memory_space<vmem>>
        %dma_start3A_167 = tpu.memref_squeeze %dma_start3A_166 : memref<1x128xi32, #tpu.memory_space<vmem>> -> memref<128xi32, #tpu.memory_space<vmem>>
        %dma_start3A_168 = arith.constant 0 : i32
        %dma_start3A_169 = arith.constant 0 : i32
        %dma_start3A_170 = tpu.memref_slice %arg2[%arg0, %dma_start3A_168, %dma_start3A_169] : memref<2x10240x32xbf16, #tpu.memory_space<hbm>> -> memref<1x10240x32xbf16, #tpu.memory_space<hbm>>
        %dma_start3A_171 = tpu.memref_squeeze %dma_start3A_170 : memref<1x10240x32xbf16, #tpu.memory_space<hbm>> -> memref<10240x32xbf16, #tpu.memory_space<hbm>>
        %dma_start3A_172 = arith.constant 0 : i32
        %dma_start3A_173 = arith.constant 0 : i32
        %dma_start3A_174 = tpu.memref_slice %dma_start3A_171[%dma_start3A_172, %dma_start3A_173] : memref<10240x32xbf16, #tpu.memory_space<hbm>> -> memref<10240x32xbf16, #tpu.memory_space<hbm>>
        tpu.enqueue_indirect_dma source(%dma_start3A_174 : memref<10240x32xbf16, #tpu.memory_space<hbm>>) target(%arg8 : memref<128x32xbf16, #tpu.memory_space<vmem>>) offsets(%dma_start3A_167 : memref<128xi32, #tpu.memory_space<vmem>>) semaphore(%arg11 : memref<!tpu.dma_semaphore, #tpu.memory_space<semaphore_mem>>)
      } else {
      }
      %mul3A_141 = arith.constant 2 : i32
      %mul3A_142 = arith.muli %scan3A_121, %mul3A_141 : i32
      %add3A_143 = arith.constant 1 : i32
      %add3A_144 = arith.addi %mul3A_142, %add3A_143 : i32
      %dma_wait3A_145 = arith.constant 0 : i32
      %dma_wait3A_146 = tpu.memref_slice %arg6[%add3A_144, %dma_wait3A_145] : memref<160x128xi32, #tpu.memory_space<vmem>> -> memref<1x128xi32, #tpu.memory_space<vmem>>
      %dma_wait3A_147 = tpu.memref_squeeze %dma_wait3A_146 : memref<1x128xi32, #tpu.memory_space<vmem>> -> memref<128xi32, #tpu.memory_space<vmem>>
      %dma_wait3A_148 = arith.constant 0 : i32
      %dma_wait3A_149 = arith.constant 0 : i32
      %dma_wait3A_150 = tpu.memref_slice %arg2[%arg0, %dma_wait3A_148, %dma_wait3A_149] : memref<2x10240x32xbf16, #tpu.memory_space<hbm>> -> memref<1x10240x32xbf16, #tpu.memory_space<hbm>>
      %dma_wait3A_151 = tpu.memref_squeeze %dma_wait3A_150 : memref<1x10240x32xbf16, #tpu.memory_space<hbm>> -> memref<10240x32xbf16, #tpu.memory_space<hbm>>
      %dma_wait3A_152 = arith.constant 0 : i32
      %dma_wait3A_153 = arith.constant 0 : i32
      %dma_wait3A_154 = tpu.memref_slice %dma_wait3A_151[%dma_wait3A_152, %dma_wait3A_153] : memref<10240x32xbf16, #tpu.memory_space<hbm>> -> memref<10240x32xbf16, #tpu.memory_space<hbm>>
      tpu.wait_indirect_dma semaphore(%arg12 : memref<!tpu.dma_semaphore, #tpu.memory_space<semaphore_mem>>) src(%dma_wait3A_154 : memref<10240x32xbf16, #tpu.memory_space<hbm>>) dst(%arg9 : memref<128x32xbf16, #tpu.memory_space<vmem>>)
      "tpu.region"() ({
        %run_scoped3A = tpu.sem_alloc : memref<!tpu.dma_semaphore, #tpu.memory_space<semaphore_mem>>
        %dma_start3A_163 = arith.constant 0 : i32
        %dma_start3A_164 = tpu.memref_slice %arg7[%add3A_144, %dma_start3A_163] : memref<160x128xi32, #tpu.memory_space<vmem>> -> memref<1x128xi32, #tpu.memory_space<vmem>>
        %dma_start3A_165 = tpu.memref_squeeze %dma_start3A_164 : memref<1x128xi32, #tpu.memory_space<vmem>> -> memref<128xi32, #tpu.memory_space<vmem>>
        %dma_start3A_166 = arith.constant 0 : i32
        %dma_start3A_167 = arith.constant 0 : i32
        %dma_start3A_168 = tpu.memref_slice %arg10[%dma_start3A_166, %dma_start3A_167] : memref<10240x32xbf16, #tpu.memory_space<vmem_shared>> -> memref<10240x32xbf16, #tpu.memory_space<vmem_shared>>
        tpu.enqueue_indirect_dma source(%arg9 : memref<128x32xbf16, #tpu.memory_space<vmem>>) target(%dma_start3A_168 : memref<10240x32xbf16, #tpu.memory_space<vmem_shared>>) offsets(%dma_start3A_165 : memref<128xi32, #tpu.memory_space<vmem>>) semaphore(%run_scoped3A : memref<!tpu.dma_semaphore, #tpu.memory_space<semaphore_mem>>) {add = true}
        %dma_wait3A_169 = arith.constant 0 : i32
        %dma_wait3A_170 = tpu.memref_slice %arg7[%add3A_144, %dma_wait3A_169] : memref<160x128xi32, #tpu.memory_space<vmem>> -> memref<1x128xi32, #tpu.memory_space<vmem>>
        %dma_wait3A_171 = tpu.memref_squeeze %dma_wait3A_170 : memref<1x128xi32, #tpu.memory_space<vmem>> -> memref<128xi32, #tpu.memory_space<vmem>>
        %dma_wait3A_172 = arith.constant 0 : i32
        %dma_wait3A_173 = arith.constant 0 : i32
        %dma_wait3A_174 = tpu.memref_slice %arg10[%dma_wait3A_172, %dma_wait3A_173] : memref<10240x32xbf16, #tpu.memory_space<vmem_shared>> -> memref<10240x32xbf16, #tpu.memory_space<vmem_shared>>
        tpu.wait_indirect_dma semaphore(%run_scoped3A : memref<!tpu.dma_semaphore, #tpu.memory_space<semaphore_mem>>) src(%arg9 : memref<128x32xbf16, #tpu.memory_space<vmem>>) dst(%dma_wait3A_174 : memref<10240x32xbf16, #tpu.memory_space<vmem_shared>>)
        tpu.yield
      }) : () -> ()
      %add3A_155 = arith.constant 2 : i32
      %add3A_156 = arith.addi %add3A_144, %add3A_155 : i32
      %lt3A_157 = arith.constant 160 : i32
      %lt3A_158 = arith.cmpi slt, %add3A_156, %lt3A_157 : i32
      %convert_element_type3A_159 = arith.extui %lt3A_158 : i1 to i32
      %cond3A_160 = arith.constant 0 : i32
      %cond3A_161 = arith.cmpi ne, %convert_element_type3A_159, %cond3A_160 : i32
      scf.if %cond3A_161 {
        %add3A_163 = arith.constant 2 : i32
        %add3A_164 = arith.addi %add3A_144, %add3A_163 : i32
        %dma_start3A_165 = arith.constant 0 : i32
        %dma_start3A_166 = tpu.memref_slice %arg6[%add3A_164, %dma_start3A_165] : memref<160x128xi32, #tpu.memory_space<vmem>> -> memref<1x128xi32, #tpu.memory_space<vmem>>
        %dma_start3A_167 = tpu.memref_squeeze %dma_start3A_166 : memref<1x128xi32, #tpu.memory_space<vmem>> -> memref<128xi32, #tpu.memory_space<vmem>>
        %dma_start3A_168 = arith.constant 0 : i32
        %dma_start3A_169 = arith.constant 0 : i32
        %dma_start3A_170 = tpu.memref_slice %arg2[%arg0, %dma_start3A_168, %dma_start3A_169] : memref<2x10240x32xbf16, #tpu.memory_space<hbm>> -> memref<1x10240x32xbf16, #tpu.memory_space<hbm>>
        %dma_start3A_171 = tpu.memref_squeeze %dma_start3A_170 : memref<1x10240x32xbf16, #tpu.memory_space<hbm>> -> memref<10240x32xbf16, #tpu.memory_space<hbm>>
        %dma_start3A_172 = arith.constant 0 : i32
        %dma_start3A_173 = arith.constant 0 : i32
        %dma_start3A_174 = tpu.memref_slice %dma_start3A_171[%dma_start3A_172, %dma_start3A_173] : memref<10240x32xbf16, #tpu.memory_space<hbm>> -> memref<10240x32xbf16, #tpu.memory_space<hbm>>
        tpu.enqueue_indirect_dma source(%dma_start3A_174 : memref<10240x32xbf16, #tpu.memory_space<hbm>>) target(%arg9 : memref<128x32xbf16, #tpu.memory_space<vmem>>) offsets(%dma_start3A_167 : memref<128xi32, #tpu.memory_space<vmem>>) semaphore(%arg12 : memref<!tpu.dma_semaphore, #tpu.memory_space<semaphore_mem>>)
      } else {
      }
      %scan3A_162 = arith.constant 0 : i32
      scf.yield %scan3A_162 : i32
    }
    %scan3A_115 = arith.constant 80 : i32
    %barrier3A_116 = arith.constant 0 : index
    tpu.barrier barrier_id(%barrier3A_116)
    %mul3A_117 = arith.constant 640 : i32
    %mul3A_118 = arith.muli %arg1, %mul3A_117 : i32
    %mul3A_119 = arith.constant 640 : i32
    %mul3A_120 = arith.muli %arg1, %mul3A_119 : i32
    "tpu.region"() ({
      %run_scoped3A = tpu.sem_alloc : memref<!tpu.dma_semaphore, #tpu.memory_space<semaphore_mem>>
      %dma_start3A_121 = arith.constant 0 : i32
      %dma_start3A_122 = arith.constant 0 : i32
      %dma_start3A_123 = tpu.memref_slice %arg5[%arg0, %dma_start3A_121, %dma_start3A_122] : memref<2x10240x32xbf16, #tpu.memory_space<hbm>> -> memref<1x10240x32xbf16, #tpu.memory_space<hbm>>
      %dma_start3A_124 = tpu.memref_squeeze %dma_start3A_123 : memref<1x10240x32xbf16, #tpu.memory_space<hbm>> -> memref<10240x32xbf16, #tpu.memory_space<hbm>>
      %dma_start3A_125 = arith.constant 0 : i32
      %dma_start3A_126 = tpu.memref_slice %dma_start3A_124[%mul3A_120, %dma_start3A_125] : memref<10240x32xbf16, #tpu.memory_space<hbm>> -> memref<640x32xbf16, #tpu.memory_space<hbm>>
      %dma_start3A_127 = arith.constant 0 : i32
      %dma_start3A_128 = tpu.memref_slice %arg10[%mul3A_118, %dma_start3A_127] : memref<10240x32xbf16, #tpu.memory_space<vmem_shared>> -> memref<640x32xbf16, #tpu.memory_space<vmem_shared>>
      tpu.enqueue_dma source(%dma_start3A_128 : memref<640x32xbf16, #tpu.memory_space<vmem_shared>>) target(%dma_start3A_126 : memref<640x32xbf16, #tpu.memory_space<hbm>>) target_semaphore(%run_scoped3A : memref<!tpu.dma_semaphore, #tpu.memory_space<semaphore_mem>>)
      %dma_wait3A_129 = arith.constant 0 : i32
      %dma_wait3A_130 = arith.constant 0 : i32
      %dma_wait3A_131 = tpu.memref_slice %arg5[%arg0, %dma_wait3A_129, %dma_wait3A_130] : memref<2x10240x32xbf16, #tpu.memory_space<hbm>> -> memref<1x10240x32xbf16, #tpu.memory_space<hbm>>
      %dma_wait3A_132 = tpu.memref_squeeze %dma_wait3A_131 : memref<1x10240x32xbf16, #tpu.memory_space<hbm>> -> memref<10240x32xbf16, #tpu.memory_space<hbm>>
      %dma_wait3A_133 = arith.constant 0 : i32
      %dma_wait3A_134 = tpu.memref_slice %dma_wait3A_132[%mul3A_120, %dma_wait3A_133] : memref<10240x32xbf16, #tpu.memory_space<hbm>> -> memref<640x32xbf16, #tpu.memory_space<hbm>>
      %dma_wait3A_135 = arith.constant 0 : i32
      %dma_wait3A_136 = tpu.memref_slice %arg10[%mul3A_118, %dma_wait3A_135] : memref<10240x32xbf16, #tpu.memory_space<vmem_shared>> -> memref<640x32xbf16, #tpu.memory_space<vmem_shared>>
      tpu.wait_dma2 semaphore(%run_scoped3A : memref<!tpu.dma_semaphore, #tpu.memory_space<semaphore_mem>>) src(%dma_wait3A_136 : memref<640x32xbf16, #tpu.memory_space<vmem_shared>>) dst(%dma_wait3A_134 : memref<640x32xbf16, #tpu.memory_space<hbm>>)
      tpu.yield
    }) : () -> ()
    return
  }
}

#map = affine_map<(d0, d1) -> (0, 0)>
#map1 = affine_map<(d0, d1) -> (0, 0, 0)>
module attributes {stable_mosaic.version = 14 : i64} {
  func.func @deg_kernel(%arg0: i32, %arg1: i32, %arg2: memref<2560x128xi32, #tpu.memory_space<hbm>>, %arg3: memref<2x10240x16xf32, #tpu.memory_space<hbm>>, %arg4: memref<80x128xi32, #tpu.memory_space<vmem>>, %arg5: memref<128x16xf32, #tpu.memory_space<vmem>>, %arg6: memref<10240x16xf32, #tpu.memory_space<vmem_shared>>) attributes {dimension_semantics = [#tpu.dimension_semantics<core_parallel>, #tpu.dimension_semantics<subcore_parallel>], iteration_bounds = array<i64: 2, 16>, scalar_prefetch = 0 : i64, scratch_operands = 3 : i64, tpu.core_type = #tpu.core_type<sc_vector_subcore>, window_params = [{transform_indices = #map}, {transform_indices = #map1}]} {
    %mul3A = arith.constant 16 : i32
    %mul3A_0 = arith.muli %arg0, %mul3A : i32
    %add3A = arith.addi %mul3A_0, %arg1 : i32
    %mul3A_1 = arith.constant 80 : i32
    %mul3A_2 = arith.muli %add3A, %mul3A_1 : i32
    "tpu.region"() ({
      %run_scoped3A = tpu.sem_alloc : memref<!tpu.dma_semaphore, #tpu.memory_space<semaphore_mem>>
      %dma_start3A = arith.constant 0 : i32
      %dma_start3A_51 = tpu.memref_slice %arg2[%mul3A_2, %dma_start3A] : memref<2560x128xi32, #tpu.memory_space<hbm>> -> memref<80x128xi32, #tpu.memory_space<hbm>>
      %dma_start3A_52 = arith.constant 0 : i32
      %dma_start3A_53 = tpu.memref_slice %arg2[%mul3A_2, %dma_start3A_52] : memref<2560x128xi32, #tpu.memory_space<hbm>> -> memref<80x128xi32, #tpu.memory_space<hbm>>
      tpu.enqueue_dma source(%dma_start3A_53 : memref<80x128xi32, #tpu.memory_space<hbm>>) target(%arg4 : memref<80x128xi32, #tpu.memory_space<vmem>>) target_semaphore(%run_scoped3A : memref<!tpu.dma_semaphore, #tpu.memory_space<semaphore_mem>>)
      %dma_wait3A = arith.constant 0 : i32
      %dma_wait3A_54 = tpu.memref_slice %arg2[%mul3A_2, %dma_wait3A] : memref<2560x128xi32, #tpu.memory_space<hbm>> -> memref<80x128xi32, #tpu.memory_space<hbm>>
      %dma_wait3A_55 = arith.constant 0 : i32
      %dma_wait3A_56 = tpu.memref_slice %arg2[%mul3A_2, %dma_wait3A_55] : memref<2560x128xi32, #tpu.memory_space<hbm>> -> memref<80x128xi32, #tpu.memory_space<hbm>>
      tpu.wait_dma2 semaphore(%run_scoped3A : memref<!tpu.dma_semaphore, #tpu.memory_space<semaphore_mem>>) src(%dma_wait3A_56 : memref<80x128xi32, #tpu.memory_space<hbm>>) dst(%arg4 : memref<80x128xi32, #tpu.memory_space<vmem>>)
      tpu.yield
    }) : () -> ()
    %broadcast_in_dim3A = arith.constant 0.000000e+00 : f32
    %broadcast_in_dim3A_3 = vector.broadcast %broadcast_in_dim3A : f32 to vector<16xf32>
    %scan3A = arith.constant 0 : i32
    %scan3A_4 = arith.constant 0 : i32
    %scan3A_5 = arith.constant 128 : i32
    %scan3A_6 = arith.addi %scan3A_4, %scan3A_5 : i32
    %scan3A_7 = arith.constant 1 : i32
    %scan3A_8 = scf.for %scan3A_51 = %scan3A_4 to %scan3A_6 step %scan3A_7 iter_args(%scan3A_52 = %scan3A) -> (i32)  : i32 {
      %swap3A = arith.index_cast %scan3A_51 : i32 to index
      %swap3A_53 = arith.constant 0 : index
      %swap3A_54 = tpu.vector_load %arg5[%swap3A, %swap3A_53] {strides = array<i32>} : memref<128x16xf32, #tpu.memory_space<vmem>>, vector<1x16xf32>,
      %swap3A_55 = vector.shape_cast %swap3A_54 : vector<1x16xf32> to vector<16xf32>
      %swap3A_56 = vector.shape_cast %broadcast_in_dim3A_3 : vector<16xf32> to vector<1x16xf32>
      tpu.vector_store %arg5[%swap3A, %swap3A_53], %swap3A_56 {strides = array<i32>} : memref<128x16xf32, #tpu.memory_space<vmem>>, vector<1x16xf32>,
      %scan3A_57 = arith.constant 0 : i32
      scf.yield %scan3A_57 : i32
    }
    %scan3A_9 = arith.constant 128 : i32
    %mul3A_10 = arith.constant 640 : i32
    %mul3A_11 = arith.muli %arg1, %mul3A_10 : i32
    %add3A_12 = arith.constant 0 : i32
    %add3A_13 = arith.addi %mul3A_11, %add3A_12 : i32
    "tpu.region"() ({
      %run_scoped3A = tpu.sem_alloc : memref<!tpu.dma_semaphore, #tpu.memory_space<semaphore_mem>>
      %dma_start3A = arith.constant 0 : i32
      %dma_start3A_51 = tpu.memref_slice %arg6[%add3A_13, %dma_start3A] : memref<10240x16xf32, #tpu.memory_space<vmem_shared>> -> memref<128x16xf32, #tpu.memory_space<vmem_shared>>
      %dma_start3A_52 = arith.constant 0 : i32
      %dma_start3A_53 = tpu.memref_slice %arg6[%add3A_13, %dma_start3A_52] : memref<10240x16xf32, #tpu.memory_space<vmem_shared>> -> memref<128x16xf32, #tpu.memory_space<vmem_shared>>
      tpu.enqueue_dma source(%arg5 : memref<128x16xf32, #tpu.memory_space<vmem>>) target(%dma_start3A_53 : memref<128x16xf32, #tpu.memory_space<vmem_shared>>) target_semaphore(%run_scoped3A : memref<!tpu.dma_semaphore, #tpu.memory_space<semaphore_mem>>)
      %dma_wait3A = arith.constant 0 : i32
      %dma_wait3A_54 = tpu.memref_slice %arg6[%add3A_13, %dma_wait3A] : memref<10240x16xf32, #tpu.memory_space<vmem_shared>> -> memref<128x16xf32, #tpu.memory_space<vmem_shared>>
      %dma_wait3A_55 = arith.constant 0 : i32
      %dma_wait3A_56 = tpu.memref_slice %arg6[%add3A_13, %dma_wait3A_55] : memref<10240x16xf32, #tpu.memory_space<vmem_shared>> -> memref<128x16xf32, #tpu.memory_space<vmem_shared>>
      tpu.wait_dma2 semaphore(%run_scoped3A : memref<!tpu.dma_semaphore, #tpu.memory_space<semaphore_mem>>) src(%arg5 : memref<128x16xf32, #tpu.memory_space<vmem>>) dst(%dma_wait3A_56 : memref<128x16xf32, #tpu.memory_space<vmem_shared>>)
      tpu.yield
    }) : () -> ()
    %mul3A_14 = arith.constant 640 : i32
    %mul3A_15 = arith.muli %arg1, %mul3A_14 : i32
    %add3A_16 = arith.constant 128 : i32
    %add3A_17 = arith.addi %mul3A_15, %add3A_16 : i32
    "tpu.region"() ({
      %run_scoped3A = tpu.sem_alloc : memref<!tpu.dma_semaphore, #tpu.memory_space<semaphore_mem>>
      %dma_start3A = arith.constant 0 : i32
      %dma_start3A_51 = tpu.memref_slice %arg6[%add3A_17, %dma_start3A] : memref<10240x16xf32, #tpu.memory_space<vmem_shared>> -> memref<128x16xf32, #tpu.memory_space<vmem_shared>>
      %dma_start3A_52 = arith.constant 0 : i32
      %dma_start3A_53 = tpu.memref_slice %arg6[%add3A_17, %dma_start3A_52] : memref<10240x16xf32, #tpu.memory_space<vmem_shared>> -> memref<128x16xf32, #tpu.memory_space<vmem_shared>>
      tpu.enqueue_dma source(%arg5 : memref<128x16xf32, #tpu.memory_space<vmem>>) target(%dma_start3A_53 : memref<128x16xf32, #tpu.memory_space<vmem_shared>>) target_semaphore(%run_scoped3A : memref<!tpu.dma_semaphore, #tpu.memory_space<semaphore_mem>>)
      %dma_wait3A = arith.constant 0 : i32
      %dma_wait3A_54 = tpu.memref_slice %arg6[%add3A_17, %dma_wait3A] : memref<10240x16xf32, #tpu.memory_space<vmem_shared>> -> memref<128x16xf32, #tpu.memory_space<vmem_shared>>
      %dma_wait3A_55 = arith.constant 0 : i32
      %dma_wait3A_56 = tpu.memref_slice %arg6[%add3A_17, %dma_wait3A_55] : memref<10240x16xf32, #tpu.memory_space<vmem_shared>> -> memref<128x16xf32, #tpu.memory_space<vmem_shared>>
      tpu.wait_dma2 semaphore(%run_scoped3A : memref<!tpu.dma_semaphore, #tpu.memory_space<semaphore_mem>>) src(%arg5 : memref<128x16xf32, #tpu.memory_space<vmem>>) dst(%dma_wait3A_56 : memref<128x16xf32, #tpu.memory_space<vmem_shared>>)
      tpu.yield
    }) : () -> ()
    %mul3A_18 = arith.constant 640 : i32
    %mul3A_19 = arith.muli %arg1, %mul3A_18 : i32
    %add3A_20 = arith.constant 256 : i32
    %add3A_21 = arith.addi %mul3A_19, %add3A_20 : i32
    "tpu.region"() ({
      %run_scoped3A = tpu.sem_alloc : memref<!tpu.dma_semaphore, #tpu.memory_space<semaphore_mem>>
      %dma_start3A = arith.constant 0 : i32
      %dma_start3A_51 = tpu.memref_slice %arg6[%add3A_21, %dma_start3A] : memref<10240x16xf32, #tpu.memory_space<vmem_shared>> -> memref<128x16xf32, #tpu.memory_space<vmem_shared>>
      %dma_start3A_52 = arith.constant 0 : i32
      %dma_start3A_53 = tpu.memref_slice %arg6[%add3A_21, %dma_start3A_52] : memref<10240x16xf32, #tpu.memory_space<vmem_shared>> -> memref<128x16xf32, #tpu.memory_space<vmem_shared>>
      tpu.enqueue_dma source(%arg5 : memref<128x16xf32, #tpu.memory_space<vmem>>) target(%dma_start3A_53 : memref<128x16xf32, #tpu.memory_space<vmem_shared>>) target_semaphore(%run_scoped3A : memref<!tpu.dma_semaphore, #tpu.memory_space<semaphore_mem>>)
      %dma_wait3A = arith.constant 0 : i32
      %dma_wait3A_54 = tpu.memref_slice %arg6[%add3A_21, %dma_wait3A] : memref<10240x16xf32, #tpu.memory_space<vmem_shared>> -> memref<128x16xf32, #tpu.memory_space<vmem_shared>>
      %dma_wait3A_55 = arith.constant 0 : i32
      %dma_wait3A_56 = tpu.memref_slice %arg6[%add3A_21, %dma_wait3A_55] : memref<10240x16xf32, #tpu.memory_space<vmem_shared>> -> memref<128x16xf32, #tpu.memory_space<vmem_shared>>
      tpu.wait_dma2 semaphore(%run_scoped3A : memref<!tpu.dma_semaphore, #tpu.memory_space<semaphore_mem>>) src(%arg5 : memref<128x16xf32, #tpu.memory_space<vmem>>) dst(%dma_wait3A_56 : memref<128x16xf32, #tpu.memory_space<vmem_shared>>)
      tpu.yield
    }) : () -> ()
    %mul3A_22 = arith.constant 640 : i32
    %mul3A_23 = arith.muli %arg1, %mul3A_22 : i32
    %add3A_24 = arith.constant 384 : i32
    %add3A_25 = arith.addi %mul3A_23, %add3A_24 : i32
    "tpu.region"() ({
      %run_scoped3A = tpu.sem_alloc : memref<!tpu.dma_semaphore, #tpu.memory_space<semaphore_mem>>
      %dma_start3A = arith.constant 0 : i32
      %dma_start3A_51 = tpu.memref_slice %arg6[%add3A_25, %dma_start3A] : memref<10240x16xf32, #tpu.memory_space<vmem_shared>> -> memref<128x16xf32, #tpu.memory_space<vmem_shared>>
      %dma_start3A_52 = arith.constant 0 : i32
      %dma_start3A_53 = tpu.memref_slice %arg6[%add3A_25, %dma_start3A_52] : memref<10240x16xf32, #tpu.memory_space<vmem_shared>> -> memref<128x16xf32, #tpu.memory_space<vmem_shared>>
      tpu.enqueue_dma source(%arg5 : memref<128x16xf32, #tpu.memory_space<vmem>>) target(%dma_start3A_53 : memref<128x16xf32, #tpu.memory_space<vmem_shared>>) target_semaphore(%run_scoped3A : memref<!tpu.dma_semaphore, #tpu.memory_space<semaphore_mem>>)
      %dma_wait3A = arith.constant 0 : i32
      %dma_wait3A_54 = tpu.memref_slice %arg6[%add3A_25, %dma_wait3A] : memref<10240x16xf32, #tpu.memory_space<vmem_shared>> -> memref<128x16xf32, #tpu.memory_space<vmem_shared>>
      %dma_wait3A_55 = arith.constant 0 : i32
      %dma_wait3A_56 = tpu.memref_slice %arg6[%add3A_25, %dma_wait3A_55] : memref<10240x16xf32, #tpu.memory_space<vmem_shared>> -> memref<128x16xf32, #tpu.memory_space<vmem_shared>>
      tpu.wait_dma2 semaphore(%run_scoped3A : memref<!tpu.dma_semaphore, #tpu.memory_space<semaphore_mem>>) src(%arg5 : memref<128x16xf32, #tpu.memory_space<vmem>>) dst(%dma_wait3A_56 : memref<128x16xf32, #tpu.memory_space<vmem_shared>>)
      tpu.yield
    }) : () -> ()
    %mul3A_26 = arith.constant 640 : i32
    %mul3A_27 = arith.muli %arg1, %mul3A_26 : i32
    %add3A_28 = arith.constant 512 : i32
    %add3A_29 = arith.addi %mul3A_27, %add3A_28 : i32
    "tpu.region"() ({
      %run_scoped3A = tpu.sem_alloc : memref<!tpu.dma_semaphore, #tpu.memory_space<semaphore_mem>>
      %dma_start3A = arith.constant 0 : i32
      %dma_start3A_51 = tpu.memref_slice %arg6[%add3A_29, %dma_start3A] : memref<10240x16xf32, #tpu.memory_space<vmem_shared>> -> memref<128x16xf32, #tpu.memory_space<vmem_shared>>
      %dma_start3A_52 = arith.constant 0 : i32
      %dma_start3A_53 = tpu.memref_slice %arg6[%add3A_29, %dma_start3A_52] : memref<10240x16xf32, #tpu.memory_space<vmem_shared>> -> memref<128x16xf32, #tpu.memory_space<vmem_shared>>
      tpu.enqueue_dma source(%arg5 : memref<128x16xf32, #tpu.memory_space<vmem>>) target(%dma_start3A_53 : memref<128x16xf32, #tpu.memory_space<vmem_shared>>) target_semaphore(%run_scoped3A : memref<!tpu.dma_semaphore, #tpu.memory_space<semaphore_mem>>)
      %dma_wait3A = arith.constant 0 : i32
      %dma_wait3A_54 = tpu.memref_slice %arg6[%add3A_29, %dma_wait3A] : memref<10240x16xf32, #tpu.memory_space<vmem_shared>> -> memref<128x16xf32, #tpu.memory_space<vmem_shared>>
      %dma_wait3A_55 = arith.constant 0 : i32
      %dma_wait3A_56 = tpu.memref_slice %arg6[%add3A_29, %dma_wait3A_55] : memref<10240x16xf32, #tpu.memory_space<vmem_shared>> -> memref<128x16xf32, #tpu.memory_space<vmem_shared>>
      tpu.wait_dma2 semaphore(%run_scoped3A : memref<!tpu.dma_semaphore, #tpu.memory_space<semaphore_mem>>) src(%arg5 : memref<128x16xf32, #tpu.memory_space<vmem>>) dst(%dma_wait3A_56 : memref<128x16xf32, #tpu.memory_space<vmem_shared>>)
      tpu.yield
    }) : () -> ()
    %barrier3A = arith.constant 0 : index
    tpu.barrier barrier_id(%barrier3A)
    %broadcast_in_dim3A_30 = arith.constant 1.000000e+00 : f32
    %broadcast_in_dim3A_31 = vector.broadcast %broadcast_in_dim3A_30 : f32 to vector<16xf32>
    %scan3A_32 = arith.constant 0 : i32
    %scan3A_33 = arith.constant 0 : i32
    %scan3A_34 = arith.constant 128 : i32
    %scan3A_35 = arith.addi %scan3A_33, %scan3A_34 : i32
    %scan3A_36 = arith.constant 1 : i32
    %scan3A_37 = scf.for %scan3A_51 = %scan3A_33 to %scan3A_35 step %scan3A_36 iter_args(%scan3A_52 = %scan3A_32) -> (i32)  : i32 {
      %swap3A = arith.index_cast %scan3A_51 : i32 to index
      %swap3A_53 = arith.constant 0 : index
      %swap3A_54 = tpu.vector_load %arg5[%swap3A, %swap3A_53] {strides = array<i32>} : memref<128x16xf32, #tpu.memory_space<vmem>>, vector<1x16xf32>,
      %swap3A_55 = vector.shape_cast %swap3A_54 : vector<1x16xf32> to vector<16xf32>
      %swap3A_56 = vector.shape_cast %broadcast_in_dim3A_31 : vector<16xf32> to vector<1x16xf32>
      tpu.vector_store %arg5[%swap3A, %swap3A_53], %swap3A_56 {strides = array<i32>} : memref<128x16xf32, #tpu.memory_space<vmem>>, vector<1x16xf32>,
      %scan3A_57 = arith.constant 0 : i32
      scf.yield %scan3A_57 : i32
    }
    %scan3A_38 = arith.constant 128 : i32
    %scan3A_39 = arith.constant 0 : i32
    %scan3A_40 = arith.constant 0 : i32
    %scan3A_41 = arith.constant 80 : i32
    %scan3A_42 = arith.addi %scan3A_40, %scan3A_41 : i32
    %scan3A_43 = arith.constant 1 : i32
    %scan3A_44 = scf.for %scan3A_51 = %scan3A_40 to %scan3A_42 step %scan3A_43 iter_args(%scan3A_52 = %scan3A_39) -> (i32)  : i32 {
      "tpu.region"() ({
        %run_scoped3A = tpu.sem_alloc : memref<!tpu.dma_semaphore, #tpu.memory_space<semaphore_mem>>
        %dma_start3A = arith.constant 0 : i32
        %dma_start3A_54 = tpu.memref_slice %arg4[%scan3A_51, %dma_start3A] : memref<80x128xi32, #tpu.memory_space<vmem>> -> memref<1x128xi32, #tpu.memory_space<vmem>>
        %dma_start3A_55 = tpu.memref_squeeze %dma_start3A_54 : memref<1x128xi32, #tpu.memory_space<vmem>> -> memref<128xi32, #tpu.memory_space<vmem>>
        %dma_start3A_56 = arith.constant 0 : i32
        %dma_start3A_57 = arith.constant 0 : i32
        %dma_start3A_58 = tpu.memref_slice %arg6[%dma_start3A_56, %dma_start3A_57] : memref<10240x16xf32, #tpu.memory_space<vmem_shared>> -> memref<10240x16xf32, #tpu.memory_space<vmem_shared>>
        tpu.enqueue_indirect_dma source(%arg5 : memref<128x16xf32, #tpu.memory_space<vmem>>) target(%dma_start3A_58 : memref<10240x16xf32, #tpu.memory_space<vmem_shared>>) offsets(%dma_start3A_55 : memref<128xi32, #tpu.memory_space<vmem>>) semaphore(%run_scoped3A : memref<!tpu.dma_semaphore, #tpu.memory_space<semaphore_mem>>) {add = true}
        %dma_wait3A = arith.constant 0 : i32
        %dma_wait3A_59 = tpu.memref_slice %arg4[%scan3A_51, %dma_wait3A] : memref<80x128xi32, #tpu.memory_space<vmem>> -> memref<1x128xi32, #tpu.memory_space<vmem>>
        %dma_wait3A_60 = tpu.memref_squeeze %dma_wait3A_59 : memref<1x128xi32, #tpu.memory_space<vmem>> -> memref<128xi32, #tpu.memory_space<vmem>>
        %dma_wait3A_61 = arith.constant 0 : i32
        %dma_wait3A_62 = arith.constant 0 : i32
        %dma_wait3A_63 = tpu.memref_slice %arg6[%dma_wait3A_61, %dma_wait3A_62] : memref<10240x16xf32, #tpu.memory_space<vmem_shared>> -> memref<10240x16xf32, #tpu.memory_space<vmem_shared>>
        tpu.wait_indirect_dma semaphore(%run_scoped3A : memref<!tpu.dma_semaphore, #tpu.memory_space<semaphore_mem>>) src(%arg5 : memref<128x16xf32, #tpu.memory_space<vmem>>) dst(%dma_wait3A_63 : memref<10240x16xf32, #tpu.memory_space<vmem_shared>>)
        tpu.yield
      }) : () -> ()
      %scan3A_53 = arith.constant 0 : i32
      scf.yield %scan3A_53 : i32
    }
    %scan3A_45 = arith.constant 80 : i32
    %barrier3A_46 = arith.constant 0 : index
    tpu.barrier barrier_id(%barrier3A_46)
    %mul3A_47 = arith.constant 640 : i32
    %mul3A_48 = arith.muli %arg1, %mul3A_47 : i32
    %mul3A_49 = arith.constant 640 : i32
    %mul3A_50 = arith.muli %arg1, %mul3A_49 : i32
    "tpu.region"() ({
      %run_scoped3A = tpu.sem_alloc : memref<!tpu.dma_semaphore, #tpu.memory_space<semaphore_mem>>
      %dma_start3A = arith.constant 0 : i32
      %dma_start3A_51 = arith.constant 0 : i32
      %dma_start3A_52 = tpu.memref_slice %arg3[%arg0, %dma_start3A, %dma_start3A_51] : memref<2x10240x16xf32, #tpu.memory_space<hbm>> -> memref<1x10240x16xf32, #tpu.memory_space<hbm>>
      %dma_start3A_53 = tpu.memref_squeeze %dma_start3A_52 : memref<1x10240x16xf32, #tpu.memory_space<hbm>> -> memref<10240x16xf32, #tpu.memory_space<hbm>>
      %dma_start3A_54 = arith.constant 0 : i32
      %dma_start3A_55 = tpu.memref_slice %dma_start3A_53[%mul3A_50, %dma_start3A_54] : memref<10240x16xf32, #tpu.memory_space<hbm>> -> memref<640x16xf32, #tpu.memory_space<hbm>>
      %dma_start3A_56 = arith.constant 0 : i32
      %dma_start3A_57 = tpu.memref_slice %arg6[%mul3A_48, %dma_start3A_56] : memref<10240x16xf32, #tpu.memory_space<vmem_shared>> -> memref<640x16xf32, #tpu.memory_space<vmem_shared>>
      tpu.enqueue_dma source(%dma_start3A_57 : memref<640x16xf32, #tpu.memory_space<vmem_shared>>) target(%dma_start3A_55 : memref<640x16xf32, #tpu.memory_space<hbm>>) target_semaphore(%run_scoped3A : memref<!tpu.dma_semaphore, #tpu.memory_space<semaphore_mem>>)
      %dma_wait3A = arith.constant 0 : i32
      %dma_wait3A_58 = arith.constant 0 : i32
      %dma_wait3A_59 = tpu.memref_slice %arg3[%arg0, %dma_wait3A, %dma_wait3A_58] : memref<2x10240x16xf32, #tpu.memory_space<hbm>> -> memref<1x10240x16xf32, #tpu.memory_space<hbm>>
      %dma_wait3A_60 = tpu.memref_squeeze %dma_wait3A_59 : memref<1x10240x16xf32, #tpu.memory_space<hbm>> -> memref<10240x16xf32, #tpu.memory_space<hbm>>
      %dma_wait3A_61 = arith.constant 0 : i32
      %dma_wait3A_62 = tpu.memref_slice %dma_wait3A_60[%mul3A_50, %dma_wait3A_61] : memref<10240x16xf32, #tpu.memory_space<hbm>> -> memref<640x16xf32, #tpu.memory_space<hbm>>
      %dma_wait3A_63 = arith.constant 0 : i32
      %dma_wait3A_64 = tpu.memref_slice %arg6[%mul3A_48, %dma_wait3A_63] : memref<10240x16xf32, #tpu.memory_space<vmem_shared>> -> memref<640x16xf32, #tpu.memory_space<vmem_shared>>
      tpu.wait_dma2 semaphore(%run_scoped3A : memref<!tpu.dma_semaphore, #tpu.memory_space<semaphore_mem>>) src(%dma_wait3A_64 : memref<640x16xf32, #tpu.memory_space<vmem_shared>>) dst(%dma_wait3A_62 : memref<640x16xf32, #tpu.memory_space<hbm>>)
      tpu.yield
    }) : () -> ()
    return
  }
}

#map = affine_map<(d0, d1) -> (0, 0, 0)>
#map1 = affine_map<(d0, d1) -> (0, 0)>
module attributes {stable_mosaic.version = 14 : i64} {
  func.func @prop_kernel(%arg0: i32, %arg1: i32, %arg2: memref<2x10240x64xbf16, #tpu.memory_space<hbm>>, %arg3: memref<2560x128xi32, #tpu.memory_space<hbm>>, %arg4: memref<2560x128xi32, #tpu.memory_space<hbm>>, %arg5: memref<2x10240x64xbf16, #tpu.memory_space<hbm>>, %arg6: memref<160x128xi32, #tpu.memory_space<vmem>>, %arg7: memref<160x128xi32, #tpu.memory_space<vmem>>, %arg8: memref<128x64xbf16, #tpu.memory_space<vmem>>, %arg9: memref<128x64xbf16, #tpu.memory_space<vmem>>, %arg10: memref<10240x64xbf16, #tpu.memory_space<vmem_shared>>, %arg11: memref<!tpu.dma_semaphore, #tpu.memory_space<semaphore_mem>>, %arg12: memref<!tpu.dma_semaphore, #tpu.memory_space<semaphore_mem>>) attributes {dimension_semantics = [#tpu.dimension_semantics<core_parallel>, #tpu.dimension_semantics<subcore_parallel>], iteration_bounds = array<i64: 2, 16>, scalar_prefetch = 0 : i64, scratch_operands = 7 : i64, tpu.core_type = #tpu.core_type<sc_vector_subcore>, window_params = [{transform_indices = #map}, {transform_indices = #map1}, {transform_indices = #map1}, {transform_indices = #map}]} {
    %mul3A = arith.constant 160 : i32
    %mul3A_0 = arith.muli %arg1, %mul3A : i32
    "tpu.region"() ({
      %run_scoped3A = tpu.sem_alloc : memref<!tpu.dma_semaphore, #tpu.memory_space<semaphore_mem>>
      %dma_start3A_121 = arith.constant 0 : i32
      %dma_start3A_122 = tpu.memref_slice %arg3[%mul3A_0, %dma_start3A_121] : memref<2560x128xi32, #tpu.memory_space<hbm>> -> memref<160x128xi32, #tpu.memory_space<hbm>>
      %dma_start3A_123 = arith.constant 0 : i32
      %dma_start3A_124 = tpu.memref_slice %arg3[%mul3A_0, %dma_start3A_123] : memref<2560x128xi32, #tpu.memory_space<hbm>> -> memref<160x128xi32, #tpu.memory_space<hbm>>
      tpu.enqueue_dma source(%dma_start3A_124 : memref<160x128xi32, #tpu.memory_space<hbm>>) target(%arg6 : memref<160x128xi32, #tpu.memory_space<vmem>>) target_semaphore(%run_scoped3A : memref<!tpu.dma_semaphore, #tpu.memory_space<semaphore_mem>>)
      %dma_wait3A_125 = arith.constant 0 : i32
      %dma_wait3A_126 = tpu.memref_slice %arg3[%mul3A_0, %dma_wait3A_125] : memref<2560x128xi32, #tpu.memory_space<hbm>> -> memref<160x128xi32, #tpu.memory_space<hbm>>
      %dma_wait3A_127 = arith.constant 0 : i32
      %dma_wait3A_128 = tpu.memref_slice %arg3[%mul3A_0, %dma_wait3A_127] : memref<2560x128xi32, #tpu.memory_space<hbm>> -> memref<160x128xi32, #tpu.memory_space<hbm>>
      tpu.wait_dma2 semaphore(%run_scoped3A : memref<!tpu.dma_semaphore, #tpu.memory_space<semaphore_mem>>) src(%dma_wait3A_128 : memref<160x128xi32, #tpu.memory_space<hbm>>) dst(%arg6 : memref<160x128xi32, #tpu.memory_space<vmem>>)
      tpu.yield
    }) : () -> ()
    %mul3A_1 = arith.constant 160 : i32
    %mul3A_2 = arith.muli %arg1, %mul3A_1 : i32
    "tpu.region"() ({
      %run_scoped3A = tpu.sem_alloc : memref<!tpu.dma_semaphore, #tpu.memory_space<semaphore_mem>>
      %dma_start3A_121 = arith.constant 0 : i32
      %dma_start3A_122 = tpu.memref_slice %arg4[%mul3A_2, %dma_start3A_121] : memref<2560x128xi32, #tpu.memory_space<hbm>> -> memref<160x128xi32, #tpu.memory_space<hbm>>
      %dma_start3A_123 = arith.constant 0 : i32
      %dma_start3A_124 = tpu.memref_slice %arg4[%mul3A_2, %dma_start3A_123] : memref<2560x128xi32, #tpu.memory_space<hbm>> -> memref<160x128xi32, #tpu.memory_space<hbm>>
      tpu.enqueue_dma source(%dma_start3A_124 : memref<160x128xi32, #tpu.memory_space<hbm>>) target(%arg7 : memref<160x128xi32, #tpu.memory_space<vmem>>) target_semaphore(%run_scoped3A : memref<!tpu.dma_semaphore, #tpu.memory_space<semaphore_mem>>)
      %dma_wait3A_125 = arith.constant 0 : i32
      %dma_wait3A_126 = tpu.memref_slice %arg4[%mul3A_2, %dma_wait3A_125] : memref<2560x128xi32, #tpu.memory_space<hbm>> -> memref<160x128xi32, #tpu.memory_space<hbm>>
      %dma_wait3A_127 = arith.constant 0 : i32
      %dma_wait3A_128 = tpu.memref_slice %arg4[%mul3A_2, %dma_wait3A_127] : memref<2560x128xi32, #tpu.memory_space<hbm>> -> memref<160x128xi32, #tpu.memory_space<hbm>>
      tpu.wait_dma2 semaphore(%run_scoped3A : memref<!tpu.dma_semaphore, #tpu.memory_space<semaphore_mem>>) src(%dma_wait3A_128 : memref<160x128xi32, #tpu.memory_space<hbm>>) dst(%arg7 : memref<160x128xi32, #tpu.memory_space<vmem>>)
      tpu.yield
    }) : () -> ()
    %broadcast_in_dim3A = arith.constant 0.000000e+00 : bf16
    %broadcast_in_dim3A_3 = vector.broadcast %broadcast_in_dim3A : bf16 to vector<32xbf16>
    %scan3A = arith.constant 0 : i32
    %scan3A_4 = arith.constant 0 : i32
    %scan3A_5 = arith.constant 128 : i32
    %scan3A_6 = arith.addi %scan3A_4, %scan3A_5 : i32
    %scan3A_7 = arith.constant 1 : i32
    %scan3A_8 = scf.for %scan3A_121 = %scan3A_4 to %scan3A_6 step %scan3A_7 iter_args(%scan3A_122 = %scan3A) -> (i32)  : i32 {
      %swap3A = arith.index_cast %scan3A_121 : i32 to index
      %swap3A_123 = arith.constant 0 : index
      %swap3A_124 = tpu.vector_load %arg8[%swap3A, %swap3A_123] {strides = array<i32>} : memref<128x64xbf16, #tpu.memory_space<vmem>>, vector<1x32xbf16>,
      %swap3A_125 = vector.shape_cast %swap3A_124 : vector<1x32xbf16> to vector<32xbf16>
      %swap3A_126 = vector.shape_cast %broadcast_in_dim3A_3 : vector<32xbf16> to vector<1x32xbf16>
      tpu.vector_store %arg8[%swap3A, %swap3A_123], %swap3A_126 {strides = array<i32>} : memref<128x64xbf16, #tpu.memory_space<vmem>>, vector<1x32xbf16>,
      %swap3A_127 = arith.index_cast %scan3A_121 : i32 to index
      %swap3A_128 = arith.constant 32 : index
      %swap3A_129 = tpu.vector_load %arg8[%swap3A_127, %swap3A_128] {strides = array<i32>} : memref<128x64xbf16, #tpu.memory_space<vmem>>, vector<1x32xbf16>,
      %swap3A_130 = vector.shape_cast %swap3A_129 : vector<1x32xbf16> to vector<32xbf16>
      %swap3A_131 = vector.shape_cast %broadcast_in_dim3A_3 : vector<32xbf16> to vector<1x32xbf16>
      tpu.vector_store %arg8[%swap3A_127, %swap3A_128], %swap3A_131 {strides = array<i32>} : memref<128x64xbf16, #tpu.memory_space<vmem>>, vector<1x32xbf16>,
      %scan3A_132 = arith.constant 0 : i32
      scf.yield %scan3A_132 : i32
    }
    %scan3A_9 = arith.constant 128 : i32
    %mul3A_10 = arith.constant 640 : i32
    %mul3A_11 = arith.muli %arg1, %mul3A_10 : i32
    %add3A = arith.constant 0 : i32
    %add3A_12 = arith.addi %mul3A_11, %add3A : i32
    %dma_start3A = arith.constant 0 : i32
    %dma_start3A_13 = tpu.memref_slice %arg10[%add3A_12, %dma_start3A] : memref<10240x64xbf16, #tpu.memory_space<vmem_shared>> -> memref<128x64xbf16, #tpu.memory_space<vmem_shared>>
    %dma_start3A_14 = arith.constant 0 : i32
    %dma_start3A_15 = tpu.memref_slice %arg10[%add3A_12, %dma_start3A_14] : memref<10240x64xbf16, #tpu.memory_space<vmem_shared>> -> memref<128x64xbf16, #tpu.memory_space<vmem_shared>>
    tpu.enqueue_dma source(%arg8 : memref<128x64xbf16, #tpu.memory_space<vmem>>) target(%dma_start3A_15 : memref<128x64xbf16, #tpu.memory_space<vmem_shared>>) target_semaphore(%arg11 : memref<!tpu.dma_semaphore, #tpu.memory_space<semaphore_mem>>)
    %mul3A_16 = arith.constant 640 : i32
    %mul3A_17 = arith.muli %arg1, %mul3A_16 : i32
    %add3A_18 = arith.constant 128 : i32
    %add3A_19 = arith.addi %mul3A_17, %add3A_18 : i32
    %dma_start3A_20 = arith.constant 0 : i32
    %dma_start3A_21 = tpu.memref_slice %arg10[%add3A_19, %dma_start3A_20] : memref<10240x64xbf16, #tpu.memory_space<vmem_shared>> -> memref<128x64xbf16, #tpu.memory_space<vmem_shared>>
    %dma_start3A_22 = arith.constant 0 : i32
    %dma_start3A_23 = tpu.memref_slice %arg10[%add3A_19, %dma_start3A_22] : memref<10240x64xbf16, #tpu.memory_space<vmem_shared>> -> memref<128x64xbf16, #tpu.memory_space<vmem_shared>>
    tpu.enqueue_dma source(%arg8 : memref<128x64xbf16, #tpu.memory_space<vmem>>) target(%dma_start3A_23 : memref<128x64xbf16, #tpu.memory_space<vmem_shared>>) target_semaphore(%arg11 : memref<!tpu.dma_semaphore, #tpu.memory_space<semaphore_mem>>)
    %mul3A_24 = arith.constant 640 : i32
    %mul3A_25 = arith.muli %arg1, %mul3A_24 : i32
    %add3A_26 = arith.constant 256 : i32
    %add3A_27 = arith.addi %mul3A_25, %add3A_26 : i32
    %dma_start3A_28 = arith.constant 0 : i32
    %dma_start3A_29 = tpu.memref_slice %arg10[%add3A_27, %dma_start3A_28] : memref<10240x64xbf16, #tpu.memory_space<vmem_shared>> -> memref<128x64xbf16, #tpu.memory_space<vmem_shared>>
    %dma_start3A_30 = arith.constant 0 : i32
    %dma_start3A_31 = tpu.memref_slice %arg10[%add3A_27, %dma_start3A_30] : memref<10240x64xbf16, #tpu.memory_space<vmem_shared>> -> memref<128x64xbf16, #tpu.memory_space<vmem_shared>>
    tpu.enqueue_dma source(%arg8 : memref<128x64xbf16, #tpu.memory_space<vmem>>) target(%dma_start3A_31 : memref<128x64xbf16, #tpu.memory_space<vmem_shared>>) target_semaphore(%arg11 : memref<!tpu.dma_semaphore, #tpu.memory_space<semaphore_mem>>)
    %mul3A_32 = arith.constant 640 : i32
    %mul3A_33 = arith.muli %arg1, %mul3A_32 : i32
    %add3A_34 = arith.constant 384 : i32
    %add3A_35 = arith.addi %mul3A_33, %add3A_34 : i32
    %dma_start3A_36 = arith.constant 0 : i32
    %dma_start3A_37 = tpu.memref_slice %arg10[%add3A_35, %dma_start3A_36] : memref<10240x64xbf16, #tpu.memory_space<vmem_shared>> -> memref<128x64xbf16, #tpu.memory_space<vmem_shared>>
    %dma_start3A_38 = arith.constant 0 : i32
    %dma_start3A_39 = tpu.memref_slice %arg10[%add3A_35, %dma_start3A_38] : memref<10240x64xbf16, #tpu.memory_space<vmem_shared>> -> memref<128x64xbf16, #tpu.memory_space<vmem_shared>>
    tpu.enqueue_dma source(%arg8 : memref<128x64xbf16, #tpu.memory_space<vmem>>) target(%dma_start3A_39 : memref<128x64xbf16, #tpu.memory_space<vmem_shared>>) target_semaphore(%arg11 : memref<!tpu.dma_semaphore, #tpu.memory_space<semaphore_mem>>)
    %mul3A_40 = arith.constant 640 : i32
    %mul3A_41 = arith.muli %arg1, %mul3A_40 : i32
    %add3A_42 = arith.constant 512 : i32
    %add3A_43 = arith.addi %mul3A_41, %add3A_42 : i32
    %dma_start3A_44 = arith.constant 0 : i32
    %dma_start3A_45 = tpu.memref_slice %arg10[%add3A_43, %dma_start3A_44] : memref<10240x64xbf16, #tpu.memory_space<vmem_shared>> -> memref<128x64xbf16, #tpu.memory_space<vmem_shared>>
    %dma_start3A_46 = arith.constant 0 : i32
    %dma_start3A_47 = tpu.memref_slice %arg10[%add3A_43, %dma_start3A_46] : memref<10240x64xbf16, #tpu.memory_space<vmem_shared>> -> memref<128x64xbf16, #tpu.memory_space<vmem_shared>>
    tpu.enqueue_dma source(%arg8 : memref<128x64xbf16, #tpu.memory_space<vmem>>) target(%dma_start3A_47 : memref<128x64xbf16, #tpu.memory_space<vmem_shared>>) target_semaphore(%arg11 : memref<!tpu.dma_semaphore, #tpu.memory_space<semaphore_mem>>)
    %mul3A_48 = arith.constant 640 : i32
    %mul3A_49 = arith.muli %arg1, %mul3A_48 : i32
    %add3A_50 = arith.constant 0 : i32
    %add3A_51 = arith.addi %mul3A_49, %add3A_50 : i32
    %dma_wait3A = arith.constant 0 : i32
    %dma_wait3A_52 = tpu.memref_slice %arg10[%add3A_51, %dma_wait3A] : memref<10240x64xbf16, #tpu.memory_space<vmem_shared>> -> memref<128x64xbf16, #tpu.memory_space<vmem_shared>>
    %dma_wait3A_53 = arith.constant 0 : i32
    %dma_wait3A_54 = tpu.memref_slice %arg10[%add3A_51, %dma_wait3A_53] : memref<10240x64xbf16, #tpu.memory_space<vmem_shared>> -> memref<128x64xbf16, #tpu.memory_space<vmem_shared>>
    tpu.wait_dma2 semaphore(%arg11 : memref<!tpu.dma_semaphore, #tpu.memory_space<semaphore_mem>>) src(%arg8 : memref<128x64xbf16, #tpu.memory_space<vmem>>) dst(%dma_wait3A_54 : memref<128x64xbf16, #tpu.memory_space<vmem_shared>>)
    %mul3A_55 = arith.constant 640 : i32
    %mul3A_56 = arith.muli %arg1, %mul3A_55 : i32
    %add3A_57 = arith.constant 128 : i32
    %add3A_58 = arith.addi %mul3A_56, %add3A_57 : i32
    %dma_wait3A_59 = arith.constant 0 : i32
    %dma_wait3A_60 = tpu.memref_slice %arg10[%add3A_58, %dma_wait3A_59] : memref<10240x64xbf16, #tpu.memory_space<vmem_shared>> -> memref<128x64xbf16, #tpu.memory_space<vmem_shared>>
    %dma_wait3A_61 = arith.constant 0 : i32
    %dma_wait3A_62 = tpu.memref_slice %arg10[%add3A_58, %dma_wait3A_61] : memref<10240x64xbf16, #tpu.memory_space<vmem_shared>> -> memref<128x64xbf16, #tpu.memory_space<vmem_shared>>
    tpu.wait_dma2 semaphore(%arg11 : memref<!tpu.dma_semaphore, #tpu.memory_space<semaphore_mem>>) src(%arg8 : memref<128x64xbf16, #tpu.memory_space<vmem>>) dst(%dma_wait3A_62 : memref<128x64xbf16, #tpu.memory_space<vmem_shared>>)
    %mul3A_63 = arith.constant 640 : i32
    %mul3A_64 = arith.muli %arg1, %mul3A_63 : i32
    %add3A_65 = arith.constant 256 : i32
    %add3A_66 = arith.addi %mul3A_64, %add3A_65 : i32
    %dma_wait3A_67 = arith.constant 0 : i32
    %dma_wait3A_68 = tpu.memref_slice %arg10[%add3A_66, %dma_wait3A_67] : memref<10240x64xbf16, #tpu.memory_space<vmem_shared>> -> memref<128x64xbf16, #tpu.memory_space<vmem_shared>>
    %dma_wait3A_69 = arith.constant 0 : i32
    %dma_wait3A_70 = tpu.memref_slice %arg10[%add3A_66, %dma_wait3A_69] : memref<10240x64xbf16, #tpu.memory_space<vmem_shared>> -> memref<128x64xbf16, #tpu.memory_space<vmem_shared>>
    tpu.wait_dma2 semaphore(%arg11 : memref<!tpu.dma_semaphore, #tpu.memory_space<semaphore_mem>>) src(%arg8 : memref<128x64xbf16, #tpu.memory_space<vmem>>) dst(%dma_wait3A_70 : memref<128x64xbf16, #tpu.memory_space<vmem_shared>>)
    %mul3A_71 = arith.constant 640 : i32
    %mul3A_72 = arith.muli %arg1, %mul3A_71 : i32
    %add3A_73 = arith.constant 384 : i32
    %add3A_74 = arith.addi %mul3A_72, %add3A_73 : i32
    %dma_wait3A_75 = arith.constant 0 : i32
    %dma_wait3A_76 = tpu.memref_slice %arg10[%add3A_74, %dma_wait3A_75] : memref<10240x64xbf16, #tpu.memory_space<vmem_shared>> -> memref<128x64xbf16, #tpu.memory_space<vmem_shared>>
    %dma_wait3A_77 = arith.constant 0 : i32
    %dma_wait3A_78 = tpu.memref_slice %arg10[%add3A_74, %dma_wait3A_77] : memref<10240x64xbf16, #tpu.memory_space<vmem_shared>> -> memref<128x64xbf16, #tpu.memory_space<vmem_shared>>
    tpu.wait_dma2 semaphore(%arg11 : memref<!tpu.dma_semaphore, #tpu.memory_space<semaphore_mem>>) src(%arg8 : memref<128x64xbf16, #tpu.memory_space<vmem>>) dst(%dma_wait3A_78 : memref<128x64xbf16, #tpu.memory_space<vmem_shared>>)
    %mul3A_79 = arith.constant 640 : i32
    %mul3A_80 = arith.muli %arg1, %mul3A_79 : i32
    %add3A_81 = arith.constant 512 : i32
    %add3A_82 = arith.addi %mul3A_80, %add3A_81 : i32
    %dma_wait3A_83 = arith.constant 0 : i32
    %dma_wait3A_84 = tpu.memref_slice %arg10[%add3A_82, %dma_wait3A_83] : memref<10240x64xbf16, #tpu.memory_space<vmem_shared>> -> memref<128x64xbf16, #tpu.memory_space<vmem_shared>>
    %dma_wait3A_85 = arith.constant 0 : i32
    %dma_wait3A_86 = tpu.memref_slice %arg10[%add3A_82, %dma_wait3A_85] : memref<10240x64xbf16, #tpu.memory_space<vmem_shared>> -> memref<128x64xbf16, #tpu.memory_space<vmem_shared>>
    tpu.wait_dma2 semaphore(%arg11 : memref<!tpu.dma_semaphore, #tpu.memory_space<semaphore_mem>>) src(%arg8 : memref<128x64xbf16, #tpu.memory_space<vmem>>) dst(%dma_wait3A_86 : memref<128x64xbf16, #tpu.memory_space<vmem_shared>>)
    %barrier3A = arith.constant 0 : index
    tpu.barrier barrier_id(%barrier3A)
    %dma_start3A_87 = arith.constant 0 : i32
    %dma_start3A_88 = arith.constant 0 : i32
    %dma_start3A_89 = tpu.memref_slice %arg6[%dma_start3A_87, %dma_start3A_88] : memref<160x128xi32, #tpu.memory_space<vmem>> -> memref<1x128xi32, #tpu.memory_space<vmem>>
    %dma_start3A_90 = tpu.memref_squeeze %dma_start3A_89 : memref<1x128xi32, #tpu.memory_space<vmem>> -> memref<128xi32, #tpu.memory_space<vmem>>
    %dma_start3A_91 = arith.constant 0 : i32
    %dma_start3A_92 = arith.constant 0 : i32
    %dma_start3A_93 = tpu.memref_slice %arg2[%arg0, %dma_start3A_91, %dma_start3A_92] : memref<2x10240x64xbf16, #tpu.memory_space<hbm>> -> memref<1x10240x64xbf16, #tpu.memory_space<hbm>>
    %dma_start3A_94 = tpu.memref_squeeze %dma_start3A_93 : memref<1x10240x64xbf16, #tpu.memory_space<hbm>> -> memref<10240x64xbf16, #tpu.memory_space<hbm>>
    %dma_start3A_95 = arith.constant 0 : i32
    %dma_start3A_96 = arith.constant 0 : i32
    %dma_start3A_97 = tpu.memref_slice %dma_start3A_94[%dma_start3A_95, %dma_start3A_96] : memref<10240x64xbf16, #tpu.memory_space<hbm>> -> memref<10240x64xbf16, #tpu.memory_space<hbm>>
    tpu.enqueue_indirect_dma source(%dma_start3A_97 : memref<10240x64xbf16, #tpu.memory_space<hbm>>) target(%arg8 : memref<128x64xbf16, #tpu.memory_space<vmem>>) offsets(%dma_start3A_90 : memref<128xi32, #tpu.memory_space<vmem>>) semaphore(%arg11 : memref<!tpu.dma_semaphore, #tpu.memory_space<semaphore_mem>>)
    %dma_start3A_98 = arith.constant 1 : i32
    %dma_start3A_99 = arith.constant 0 : i32
    %dma_start3A_100 = tpu.memref_slice %arg6[%dma_start3A_98, %dma_start3A_99] : memref<160x128xi32, #tpu.memory_space<vmem>> -> memref<1x128xi32, #tpu.memory_space<vmem>>
    %dma_start3A_101 = tpu.memref_squeeze %dma_start3A_100 : memref<1x128xi32, #tpu.memory_space<vmem>> -> memref<128xi32, #tpu.memory_space<vmem>>
    %dma_start3A_102 = arith.constant 0 : i32
    %dma_start3A_103 = arith.constant 0 : i32
    %dma_start3A_104 = tpu.memref_slice %arg2[%arg0, %dma_start3A_102, %dma_start3A_103] : memref<2x10240x64xbf16, #tpu.memory_space<hbm>> -> memref<1x10240x64xbf16, #tpu.memory_space<hbm>>
    %dma_start3A_105 = tpu.memref_squeeze %dma_start3A_104 : memref<1x10240x64xbf16, #tpu.memory_space<hbm>> -> memref<10240x64xbf16, #tpu.memory_space<hbm>>
    %dma_start3A_106 = arith.constant 0 : i32
    %dma_start3A_107 = arith.constant 0 : i32
    %dma_start3A_108 = tpu.memref_slice %dma_start3A_105[%dma_start3A_106, %dma_start3A_107] : memref<10240x64xbf16, #tpu.memory_space<hbm>> -> memref<10240x64xbf16, #tpu.memory_space<hbm>>
    tpu.enqueue_indirect_dma source(%dma_start3A_108 : memref<10240x64xbf16, #tpu.memory_space<hbm>>) target(%arg9 : memref<128x64xbf16, #tpu.memory_space<vmem>>) offsets(%dma_start3A_101 : memref<128xi32, #tpu.memory_space<vmem>>) semaphore(%arg12 : memref<!tpu.dma_semaphore, #tpu.memory_space<semaphore_mem>>)
    %scan3A_109 = arith.constant 0 : i32
    %scan3A_110 = arith.constant 0 : i32
    %scan3A_111 = arith.constant 80 : i32
    %scan3A_112 = arith.addi %scan3A_110, %scan3A_111 : i32
    %scan3A_113 = arith.constant 1 : i32
    %scan3A_114 = scf.for %scan3A_121 = %scan3A_110 to %scan3A_112 step %scan3A_113 iter_args(%scan3A_122 = %scan3A_109) -> (i32)  : i32 {
      %mul3A_123 = arith.constant 2 : i32
      %mul3A_124 = arith.muli %scan3A_121, %mul3A_123 : i32
      %add3A_125 = arith.constant 0 : i32
      %add3A_126 = arith.addi %mul3A_124, %add3A_125 : i32
      %dma_wait3A_127 = arith.constant 0 : i32
      %dma_wait3A_128 = tpu.memref_slice %arg6[%add3A_126, %dma_wait3A_127] : memref<160x128xi32, #tpu.memory_space<vmem>> -> memref<1x128xi32, #tpu.memory_space<vmem>>
      %dma_wait3A_129 = tpu.memref_squeeze %dma_wait3A_128 : memref<1x128xi32, #tpu.memory_space<vmem>> -> memref<128xi32, #tpu.memory_space<vmem>>
      %dma_wait3A_130 = arith.constant 0 : i32
      %dma_wait3A_131 = arith.constant 0 : i32
      %dma_wait3A_132 = tpu.memref_slice %arg2[%arg0, %dma_wait3A_130, %dma_wait3A_131] : memref<2x10240x64xbf16, #tpu.memory_space<hbm>> -> memref<1x10240x64xbf16, #tpu.memory_space<hbm>>
      %dma_wait3A_133 = tpu.memref_squeeze %dma_wait3A_132 : memref<1x10240x64xbf16, #tpu.memory_space<hbm>> -> memref<10240x64xbf16, #tpu.memory_space<hbm>>
      %dma_wait3A_134 = arith.constant 0 : i32
      %dma_wait3A_135 = arith.constant 0 : i32
      %dma_wait3A_136 = tpu.memref_slice %dma_wait3A_133[%dma_wait3A_134, %dma_wait3A_135] : memref<10240x64xbf16, #tpu.memory_space<hbm>> -> memref<10240x64xbf16, #tpu.memory_space<hbm>>
      tpu.wait_indirect_dma semaphore(%arg11 : memref<!tpu.dma_semaphore, #tpu.memory_space<semaphore_mem>>) src(%dma_wait3A_136 : memref<10240x64xbf16, #tpu.memory_space<hbm>>) dst(%arg8 : memref<128x64xbf16, #tpu.memory_space<vmem>>)
      "tpu.region"() ({
        %run_scoped3A = tpu.sem_alloc : memref<!tpu.dma_semaphore, #tpu.memory_space<semaphore_mem>>
        %dma_start3A_163 = arith.constant 0 : i32
        %dma_start3A_164 = tpu.memref_slice %arg7[%add3A_126, %dma_start3A_163] : memref<160x128xi32, #tpu.memory_space<vmem>> -> memref<1x128xi32, #tpu.memory_space<vmem>>
        %dma_start3A_165 = tpu.memref_squeeze %dma_start3A_164 : memref<1x128xi32, #tpu.memory_space<vmem>> -> memref<128xi32, #tpu.memory_space<vmem>>
        %dma_start3A_166 = arith.constant 0 : i32
        %dma_start3A_167 = arith.constant 0 : i32
        %dma_start3A_168 = tpu.memref_slice %arg10[%dma_start3A_166, %dma_start3A_167] : memref<10240x64xbf16, #tpu.memory_space<vmem_shared>> -> memref<10240x64xbf16, #tpu.memory_space<vmem_shared>>
        tpu.enqueue_indirect_dma source(%arg8 : memref<128x64xbf16, #tpu.memory_space<vmem>>) target(%dma_start3A_168 : memref<10240x64xbf16, #tpu.memory_space<vmem_shared>>) offsets(%dma_start3A_165 : memref<128xi32, #tpu.memory_space<vmem>>) semaphore(%run_scoped3A : memref<!tpu.dma_semaphore, #tpu.memory_space<semaphore_mem>>) {add = true}
        %dma_wait3A_169 = arith.constant 0 : i32
        %dma_wait3A_170 = tpu.memref_slice %arg7[%add3A_126, %dma_wait3A_169] : memref<160x128xi32, #tpu.memory_space<vmem>> -> memref<1x128xi32, #tpu.memory_space<vmem>>
        %dma_wait3A_171 = tpu.memref_squeeze %dma_wait3A_170 : memref<1x128xi32, #tpu.memory_space<vmem>> -> memref<128xi32, #tpu.memory_space<vmem>>
        %dma_wait3A_172 = arith.constant 0 : i32
        %dma_wait3A_173 = arith.constant 0 : i32
        %dma_wait3A_174 = tpu.memref_slice %arg10[%dma_wait3A_172, %dma_wait3A_173] : memref<10240x64xbf16, #tpu.memory_space<vmem_shared>> -> memref<10240x64xbf16, #tpu.memory_space<vmem_shared>>
        tpu.wait_indirect_dma semaphore(%run_scoped3A : memref<!tpu.dma_semaphore, #tpu.memory_space<semaphore_mem>>) src(%arg8 : memref<128x64xbf16, #tpu.memory_space<vmem>>) dst(%dma_wait3A_174 : memref<10240x64xbf16, #tpu.memory_space<vmem_shared>>)
        tpu.yield
      }) : () -> ()
      %add3A_137 = arith.constant 2 : i32
      %add3A_138 = arith.addi %add3A_126, %add3A_137 : i32
      %lt3A = arith.constant 160 : i32
      %lt3A_139 = arith.cmpi slt, %add3A_138, %lt3A : i32
      %convert_element_type3A = arith.extui %lt3A_139 : i1 to i32
      %cond3A = arith.constant 0 : i32
      %cond3A_140 = arith.cmpi ne, %convert_element_type3A, %cond3A : i32
      scf.if %cond3A_140 {
        %add3A_163 = arith.constant 2 : i32
        %add3A_164 = arith.addi %add3A_126, %add3A_163 : i32
        %dma_start3A_165 = arith.constant 0 : i32
        %dma_start3A_166 = tpu.memref_slice %arg6[%add3A_164, %dma_start3A_165] : memref<160x128xi32, #tpu.memory_space<vmem>> -> memref<1x128xi32, #tpu.memory_space<vmem>>
        %dma_start3A_167 = tpu.memref_squeeze %dma_start3A_166 : memref<1x128xi32, #tpu.memory_space<vmem>> -> memref<128xi32, #tpu.memory_space<vmem>>
        %dma_start3A_168 = arith.constant 0 : i32
        %dma_start3A_169 = arith.constant 0 : i32
        %dma_start3A_170 = tpu.memref_slice %arg2[%arg0, %dma_start3A_168, %dma_start3A_169] : memref<2x10240x64xbf16, #tpu.memory_space<hbm>> -> memref<1x10240x64xbf16, #tpu.memory_space<hbm>>
        %dma_start3A_171 = tpu.memref_squeeze %dma_start3A_170 : memref<1x10240x64xbf16, #tpu.memory_space<hbm>> -> memref<10240x64xbf16, #tpu.memory_space<hbm>>
        %dma_start3A_172 = arith.constant 0 : i32
        %dma_start3A_173 = arith.constant 0 : i32
        %dma_start3A_174 = tpu.memref_slice %dma_start3A_171[%dma_start3A_172, %dma_start3A_173] : memref<10240x64xbf16, #tpu.memory_space<hbm>> -> memref<10240x64xbf16, #tpu.memory_space<hbm>>
        tpu.enqueue_indirect_dma source(%dma_start3A_174 : memref<10240x64xbf16, #tpu.memory_space<hbm>>) target(%arg8 : memref<128x64xbf16, #tpu.memory_space<vmem>>) offsets(%dma_start3A_167 : memref<128xi32, #tpu.memory_space<vmem>>) semaphore(%arg11 : memref<!tpu.dma_semaphore, #tpu.memory_space<semaphore_mem>>)
      } else {
      }
      %mul3A_141 = arith.constant 2 : i32
      %mul3A_142 = arith.muli %scan3A_121, %mul3A_141 : i32
      %add3A_143 = arith.constant 1 : i32
      %add3A_144 = arith.addi %mul3A_142, %add3A_143 : i32
      %dma_wait3A_145 = arith.constant 0 : i32
      %dma_wait3A_146 = tpu.memref_slice %arg6[%add3A_144, %dma_wait3A_145] : memref<160x128xi32, #tpu.memory_space<vmem>> -> memref<1x128xi32, #tpu.memory_space<vmem>>
      %dma_wait3A_147 = tpu.memref_squeeze %dma_wait3A_146 : memref<1x128xi32, #tpu.memory_space<vmem>> -> memref<128xi32, #tpu.memory_space<vmem>>
      %dma_wait3A_148 = arith.constant 0 : i32
      %dma_wait3A_149 = arith.constant 0 : i32
      %dma_wait3A_150 = tpu.memref_slice %arg2[%arg0, %dma_wait3A_148, %dma_wait3A_149] : memref<2x10240x64xbf16, #tpu.memory_space<hbm>> -> memref<1x10240x64xbf16, #tpu.memory_space<hbm>>
      %dma_wait3A_151 = tpu.memref_squeeze %dma_wait3A_150 : memref<1x10240x64xbf16, #tpu.memory_space<hbm>> -> memref<10240x64xbf16, #tpu.memory_space<hbm>>
      %dma_wait3A_152 = arith.constant 0 : i32
      %dma_wait3A_153 = arith.constant 0 : i32
      %dma_wait3A_154 = tpu.memref_slice %dma_wait3A_151[%dma_wait3A_152, %dma_wait3A_153] : memref<10240x64xbf16, #tpu.memory_space<hbm>> -> memref<10240x64xbf16, #tpu.memory_space<hbm>>
      tpu.wait_indirect_dma semaphore(%arg12 : memref<!tpu.dma_semaphore, #tpu.memory_space<semaphore_mem>>) src(%dma_wait3A_154 : memref<10240x64xbf16, #tpu.memory_space<hbm>>) dst(%arg9 : memref<128x64xbf16, #tpu.memory_space<vmem>>)
      "tpu.region"() ({
        %run_scoped3A = tpu.sem_alloc : memref<!tpu.dma_semaphore, #tpu.memory_space<semaphore_mem>>
        %dma_start3A_163 = arith.constant 0 : i32
        %dma_start3A_164 = tpu.memref_slice %arg7[%add3A_144, %dma_start3A_163] : memref<160x128xi32, #tpu.memory_space<vmem>> -> memref<1x128xi32, #tpu.memory_space<vmem>>
        %dma_start3A_165 = tpu.memref_squeeze %dma_start3A_164 : memref<1x128xi32, #tpu.memory_space<vmem>> -> memref<128xi32, #tpu.memory_space<vmem>>
        %dma_start3A_166 = arith.constant 0 : i32
        %dma_start3A_167 = arith.constant 0 : i32
        %dma_start3A_168 = tpu.memref_slice %arg10[%dma_start3A_166, %dma_start3A_167] : memref<10240x64xbf16, #tpu.memory_space<vmem_shared>> -> memref<10240x64xbf16, #tpu.memory_space<vmem_shared>>
        tpu.enqueue_indirect_dma source(%arg9 : memref<128x64xbf16, #tpu.memory_space<vmem>>) target(%dma_start3A_168 : memref<10240x64xbf16, #tpu.memory_space<vmem_shared>>) offsets(%dma_start3A_165 : memref<128xi32, #tpu.memory_space<vmem>>) semaphore(%run_scoped3A : memref<!tpu.dma_semaphore, #tpu.memory_space<semaphore_mem>>) {add = true}
        %dma_wait3A_169 = arith.constant 0 : i32
        %dma_wait3A_170 = tpu.memref_slice %arg7[%add3A_144, %dma_wait3A_169] : memref<160x128xi32, #tpu.memory_space<vmem>> -> memref<1x128xi32, #tpu.memory_space<vmem>>
        %dma_wait3A_171 = tpu.memref_squeeze %dma_wait3A_170 : memref<1x128xi32, #tpu.memory_space<vmem>> -> memref<128xi32, #tpu.memory_space<vmem>>
        %dma_wait3A_172 = arith.constant 0 : i32
        %dma_wait3A_173 = arith.constant 0 : i32
        %dma_wait3A_174 = tpu.memref_slice %arg10[%dma_wait3A_172, %dma_wait3A_173] : memref<10240x64xbf16, #tpu.memory_space<vmem_shared>> -> memref<10240x64xbf16, #tpu.memory_space<vmem_shared>>
        tpu.wait_indirect_dma semaphore(%run_scoped3A : memref<!tpu.dma_semaphore, #tpu.memory_space<semaphore_mem>>) src(%arg9 : memref<128x64xbf16, #tpu.memory_space<vmem>>) dst(%dma_wait3A_174 : memref<10240x64xbf16, #tpu.memory_space<vmem_shared>>)
        tpu.yield
      }) : () -> ()
      %add3A_155 = arith.constant 2 : i32
      %add3A_156 = arith.addi %add3A_144, %add3A_155 : i32
      %lt3A_157 = arith.constant 160 : i32
      %lt3A_158 = arith.cmpi slt, %add3A_156, %lt3A_157 : i32
      %convert_element_type3A_159 = arith.extui %lt3A_158 : i1 to i32
      %cond3A_160 = arith.constant 0 : i32
      %cond3A_161 = arith.cmpi ne, %convert_element_type3A_159, %cond3A_160 : i32
      scf.if %cond3A_161 {
        %add3A_163 = arith.constant 2 : i32
        %add3A_164 = arith.addi %add3A_144, %add3A_163 : i32
        %dma_start3A_165 = arith.constant 0 : i32
        %dma_start3A_166 = tpu.memref_slice %arg6[%add3A_164, %dma_start3A_165] : memref<160x128xi32, #tpu.memory_space<vmem>> -> memref<1x128xi32, #tpu.memory_space<vmem>>
        %dma_start3A_167 = tpu.memref_squeeze %dma_start3A_166 : memref<1x128xi32, #tpu.memory_space<vmem>> -> memref<128xi32, #tpu.memory_space<vmem>>
        %dma_start3A_168 = arith.constant 0 : i32
        %dma_start3A_169 = arith.constant 0 : i32
        %dma_start3A_170 = tpu.memref_slice %arg2[%arg0, %dma_start3A_168, %dma_start3A_169] : memref<2x10240x64xbf16, #tpu.memory_space<hbm>> -> memref<1x10240x64xbf16, #tpu.memory_space<hbm>>
        %dma_start3A_171 = tpu.memref_squeeze %dma_start3A_170 : memref<1x10240x64xbf16, #tpu.memory_space<hbm>> -> memref<10240x64xbf16, #tpu.memory_space<hbm>>
        %dma_start3A_172 = arith.constant 0 : i32
        %dma_start3A_173 = arith.constant 0 : i32
        %dma_start3A_174 = tpu.memref_slice %dma_start3A_171[%dma_start3A_172, %dma_start3A_173] : memref<10240x64xbf16, #tpu.memory_space<hbm>> -> memref<10240x64xbf16, #tpu.memory_space<hbm>>
        tpu.enqueue_indirect_dma source(%dma_start3A_174 : memref<10240x64xbf16, #tpu.memory_space<hbm>>) target(%arg9 : memref<128x64xbf16, #tpu.memory_space<vmem>>) offsets(%dma_start3A_167 : memref<128xi32, #tpu.memory_space<vmem>>) semaphore(%arg12 : memref<!tpu.dma_semaphore, #tpu.memory_space<semaphore_mem>>)
      } else {
      }
      %scan3A_162 = arith.constant 0 : i32
      scf.yield %scan3A_162 : i32
    }
    %scan3A_115 = arith.constant 80 : i32
    %barrier3A_116 = arith.constant 0 : index
    tpu.barrier barrier_id(%barrier3A_116)
    %mul3A_117 = arith.constant 640 : i32
    %mul3A_118 = arith.muli %arg1, %mul3A_117 : i32
    %mul3A_119 = arith.constant 640 : i32
    %mul3A_120 = arith.muli %arg1, %mul3A_119 : i32
    "tpu.region"() ({
      %run_scoped3A = tpu.sem_alloc : memref<!tpu.dma_semaphore, #tpu.memory_space<semaphore_mem>>
      %dma_start3A_121 = arith.constant 0 : i32
      %dma_start3A_122 = arith.constant 0 : i32
      %dma_start3A_123 = tpu.memref_slice %arg5[%arg0, %dma_start3A_121, %dma_start3A_122] : memref<2x10240x64xbf16, #tpu.memory_space<hbm>> -> memref<1x10240x64xbf16, #tpu.memory_space<hbm>>
      %dma_start3A_124 = tpu.memref_squeeze %dma_start3A_123 : memref<1x10240x64xbf16, #tpu.memory_space<hbm>> -> memref<10240x64xbf16, #tpu.memory_space<hbm>>
      %dma_start3A_125 = arith.constant 0 : i32
      %dma_start3A_126 = tpu.memref_slice %dma_start3A_124[%mul3A_120, %dma_start3A_125] : memref<10240x64xbf16, #tpu.memory_space<hbm>> -> memref<640x64xbf16, #tpu.memory_space<hbm>>
      %dma_start3A_127 = arith.constant 0 : i32
      %dma_start3A_128 = tpu.memref_slice %arg10[%mul3A_118, %dma_start3A_127] : memref<10240x64xbf16, #tpu.memory_space<vmem_shared>> -> memref<640x64xbf16, #tpu.memory_space<vmem_shared>>
      tpu.enqueue_dma source(%dma_start3A_128 : memref<640x64xbf16, #tpu.memory_space<vmem_shared>>) target(%dma_start3A_126 : memref<640x64xbf16, #tpu.memory_space<hbm>>) target_semaphore(%run_scoped3A : memref<!tpu.dma_semaphore, #tpu.memory_space<semaphore_mem>>)
      %dma_wait3A_129 = arith.constant 0 : i32
      %dma_wait3A_130 = arith.constant 0 : i32
      %dma_wait3A_131 = tpu.memref_slice %arg5[%arg0, %dma_wait3A_129, %dma_wait3A_130] : memref<2x10240x64xbf16, #tpu.memory_space<hbm>> -> memref<1x10240x64xbf16, #tpu.memory_space<hbm>>
      %dma_wait3A_132 = tpu.memref_squeeze %dma_wait3A_131 : memref<1x10240x64xbf16, #tpu.memory_space<hbm>> -> memref<10240x64xbf16, #tpu.memory_space<hbm>>
      %dma_wait3A_133 = arith.constant 0 : i32
      %dma_wait3A_134 = tpu.memref_slice %dma_wait3A_132[%mul3A_120, %dma_wait3A_133] : memref<10240x64xbf16, #tpu.memory_space<hbm>> -> memref<640x64xbf16, #tpu.memory_space<hbm>>
      %dma_wait3A_135 = arith.constant 0 : i32
      %dma_wait3A_136 = tpu.memref_slice %arg10[%mul3A_118, %dma_wait3A_135] : memref<10240x64xbf16, #tpu.memory_space<vmem_shared>> -> memref<640x64xbf16, #tpu.memory_space<vmem_shared>>
      tpu.wait_dma2 semaphore(%run_scoped3A : memref<!tpu.dma_semaphore, #tpu.memory_space<semaphore_mem>>) src(%dma_wait3A_136 : memref<640x64xbf16, #tpu.memory_space<vmem_shared>>) dst(%dma_wait3A_134 : memref<640x64xbf16, #tpu.memory_space<hbm>>)
      tpu.yield
    }) : () -> ()
    return
  }
}

module attributes {stable_mosaic.version = 14 : i64} {
  func.func @body(%arg0: i32, %arg1: memref<1024x128xf32, #tpu.memory_space<vmem>>, %arg2: memref<128x128xf32, #tpu.memory_space<vmem>>, %arg3: memref<2x1024x16xf32, #tpu.memory_space<vmem>>, %arg4: memref<2x1024x64xbf16, #tpu.memory_space<vmem>>, %arg5: memref<1024x128xf32, #tpu.memory_space<vmem>>) attributes {dimension_semantics = [#tpu.dimension_semantics<arbitrary>], iteration_bounds = array<i64: 10>, scalar_prefetch = 0 : i64, scratch_operands = 0 : i64, tpu.core_type = #tpu.core_type<tc>, window_params = [{transform_indices = @transform_0, window_bounds = array<i64: 1024, 128>}, {pipeline_mode = #tpu.pipeline_mode<synchronous>, transform_indices = @transform_1, window_bounds = array<i64: 128, 128>}, {transform_indices = @transform_2, window_bounds = array<i64: 2, 1024, 16>}, {transform_indices = @transform_3, window_bounds = array<i64: 2, 1024, 64>}, {transform_indices = @transform_4, window_bounds = array<i64: 1024, 128>}]} {
    %get3A = arith.constant 0 : index
    %get3A_0 = arith.constant 0 : index
    %get3A_1 = arith.constant 0 : index
    %get3A_2 = vector.load %arg3[%get3A, %get3A_0, %get3A_1] : memref<2x1024x16xf32, #tpu.memory_space<vmem>>, vector<1x1024x1xf32>
    %get3A_3 = vector.shape_cast %get3A_2 : vector<1x1024x1xf32> to vector<1024x1xf32>
    %get3A_4 = arith.constant 1 : index
    %get3A_5 = arith.constant 0 : index
    %get3A_6 = arith.constant 0 : index
    %get3A_7 = vector.load %arg3[%get3A_4, %get3A_5, %get3A_6] : memref<2x1024x16xf32, #tpu.memory_space<vmem>>, vector<1x1024x1xf32>
    %get3A_8 = vector.shape_cast %get3A_7 : vector<1x1024x1xf32> to vector<1024x1xf32>
    %add3A = arith.addf %get3A_3, %get3A_8 : vector<1024x1xf32>
    %add3A_9 = arith.constant 1.000000e+00 : f32
    %add3A_10 = vector.broadcast %add3A_9 : f32 to vector<1024x1xf32>
    %add3A_11 = arith.addf %add3A, %add3A_10 : vector<1024x1xf32>
    %rsqrt3A = math.rsqrt %add3A_11 : vector<1024x1xf32>
    %get3A_12 = arith.constant 0 : index
    %get3A_13 = arith.constant 0 : index
    %get3A_14 = vector.load %arg1[%get3A_12, %get3A_13] : memref<1024x128xf32, #tpu.memory_space<vmem>>, vector<1024x128xf32>
    %get3A_15 = arith.constant 0 : index
    %get3A_16 = arith.constant 0 : index
    %get3A_17 = vector.load %arg2[%get3A_15, %get3A_16] : memref<128x128xf32, #tpu.memory_space<vmem>>, vector<128x128xf32>
    %dot_general3A = arith.constant dense<0.000000e+00> : vector<1024x128xf32>
    %dot_general3A_18 = tpu.matmul %get3A_14, %get3A_17, %dot_general3A {dimension_numbers = #tpu.dot_dimension_numbers<[1], [0], [0], [1], [0, 0, 1, 1], [], []>, transpose_lhs_hint = false} : vector<1024x128xf32>, vector<128x128xf32>, vector<1024x128xf32> -> vector<1024x128xf32>
    %mul3A = vector.broadcast %rsqrt3A : vector<1024x1xf32> to vector<1024x128xf32>
    %mul3A_19 = arith.mulf %dot_general3A_18, %mul3A : vector<1024x128xf32>
    %slice3A = vector.extract_strided_slice %mul3A_19 {offsets = [0, 0], sizes = [1024, 64], strides = [1, 1]} : vector<1024x128xf32> to vector<1024x64xf32>
    %convert_element_type3A = arith.truncf %slice3A : vector<1024x64xf32> to vector<1024x64xbf16>
    %swap3A = arith.constant 0 : index
    %swap3A_20 = arith.constant 0 : index
    %swap3A_21 = arith.constant 0 : index
    %swap3A_22 = vector.load %arg4[%swap3A, %swap3A_20, %swap3A_21] : memref<2x1024x64xbf16, #tpu.memory_space<vmem>>, vector<1x1024x64xbf16>
    %swap3A_23 = vector.shape_cast %swap3A_22 : vector<1x1024x64xbf16> to vector<1024x64xbf16>
    %swap3A_24 = vector.shape_cast %convert_element_type3A : vector<1024x64xbf16> to vector<1x1024x64xbf16>
    tpu.vector_store %arg4[%swap3A, %swap3A_20, %swap3A_21], %swap3A_24 {strides = array<i32>} : memref<2x1024x64xbf16, #tpu.memory_space<vmem>>, vector<1x1024x64xbf16>,
    %slice3A_25 = vector.extract_strided_slice %mul3A_19 {offsets = [0, 64], sizes = [1024, 64], strides = [1, 1]} : vector<1024x128xf32> to vector<1024x64xf32>
    %convert_element_type3A_26 = arith.truncf %slice3A_25 : vector<1024x64xf32> to vector<1024x64xbf16>
    %swap3A_27 = arith.constant 1 : index
    %swap3A_28 = arith.constant 0 : index
    %swap3A_29 = arith.constant 0 : index
    %swap3A_30 = vector.load %arg4[%swap3A_27, %swap3A_28, %swap3A_29] : memref<2x1024x64xbf16, #tpu.memory_space<vmem>>, vector<1x1024x64xbf16>
    %swap3A_31 = vector.shape_cast %swap3A_30 : vector<1x1024x64xbf16> to vector<1024x64xbf16>
    %swap3A_32 = vector.shape_cast %convert_element_type3A_26 : vector<1024x64xbf16> to vector<1x1024x64xbf16>
    tpu.vector_store %arg4[%swap3A_27, %swap3A_28, %swap3A_29], %swap3A_32 {strides = array<i32>} : memref<2x1024x64xbf16, #tpu.memory_space<vmem>>, vector<1x1024x64xbf16>,
    %broadcast_in_dim3A = vector.shape_cast %rsqrt3A : vector<1024x1xf32> to vector<1024x1xf32>
    %broadcast_in_dim3A_33 = vector.broadcast %broadcast_in_dim3A : vector<1024x1xf32> to vector<1024x128xf32>
    %swap3A_34 = arith.constant 0 : index
    %swap3A_35 = arith.constant 0 : index
    %swap3A_36 = vector.load %arg5[%swap3A_34, %swap3A_35] : memref<1024x128xf32, #tpu.memory_space<vmem>>, vector<1024x128xf32>
    tpu.vector_store %arg5[%swap3A_34, %swap3A_35], %broadcast_in_dim3A_33 {strides = array<i32>} : memref<1024x128xf32, #tpu.memory_space<vmem>>, vector<1024x128xf32>,
    return
  }
  func.func @transform_0(%arg0: i32) -> (i32, i32) {
    %c0_i32 = arith.constant 0 : i32
    %c0_i32_0 = arith.constant 0 : i32
    return %arg0, %c0_i32 : i32, i32
  }
  func.func @transform_1(%arg0: i32) -> (i32, i32) {
    %c0_i32 = arith.constant 0 : i32
    %c0_i32_0 = arith.constant 0 : i32
    %c0_i32_1 = arith.constant 0 : i32
    return %c0_i32, %c0_i32_0 : i32, i32
  }
  func.func @transform_2(%arg0: i32) -> (i32, i32, i32) {
    %c0_i32 = arith.constant 0 : i32
    %c0_i32_0 = arith.constant 0 : i32
    %c0_i32_1 = arith.constant 0 : i32
    return %c0_i32, %arg0, %c0_i32_0 : i32, i32, i32
  }
  func.func @transform_3(%arg0: i32) -> (i32, i32, i32) {
    %c0_i32 = arith.constant 0 : i32
    %c0_i32_0 = arith.constant 0 : i32
    %c0_i32_1 = arith.constant 0 : i32
    return %c0_i32, %arg0, %c0_i32_0 : i32, i32, i32
  }
  func.func @transform_4(%arg0: i32) -> (i32, i32) {
    %c0_i32 = arith.constant 0 : i32
    %c0_i32_0 = arith.constant 0 : i32
    return %arg0, %c0_i32 : i32, i32
  }
}

module attributes {stable_mosaic.version = 14 : i64} {
  func.func @body(%arg0: i32, %arg1: memref<2x1024x64xbf16, #tpu.memory_space<vmem>>, %arg2: memref<2x1024x64xbf16, #tpu.memory_space<vmem>>, %arg3: memref<1024x128xf32, #tpu.memory_space<vmem>>, %arg4: memref<128x64xf32, #tpu.memory_space<vmem>>, %arg5: memref<1x128xf32, #tpu.memory_space<vmem>>, %arg6: memref<2x1024x32xbf16, #tpu.memory_space<vmem>>) attributes {dimension_semantics = [#tpu.dimension_semantics<arbitrary>], iteration_bounds = array<i64: 10>, scalar_prefetch = 0 : i64, scratch_operands = 0 : i64, tpu.core_type = #tpu.core_type<tc>, window_params = [{transform_indices = @transform_0, window_bounds = array<i64: 2, 1024, 64>}, {transform_indices = @transform_1, window_bounds = array<i64: 2, 1024, 64>}, {transform_indices = @transform_2, window_bounds = array<i64: 1024, 128>}, {pipeline_mode = #tpu.pipeline_mode<synchronous>, transform_indices = @transform_3, window_bounds = array<i64: 128, 64>}, {pipeline_mode = #tpu.pipeline_mode<synchronous>, transform_indices = @transform_4, window_bounds = array<i64: 1, 128>}, {transform_indices = @transform_5, window_bounds = array<i64: 2, 1024, 32>}]} {
    %get3A = arith.constant 0 : index
    %get3A_0 = arith.constant 0 : index
    %get3A_1 = arith.constant 0 : index
    %get3A_2 = vector.load %arg1[%get3A, %get3A_0, %get3A_1] : memref<2x1024x64xbf16, #tpu.memory_space<vmem>>, vector<1x1024x64xbf16>
    %get3A_3 = vector.shape_cast %get3A_2 : vector<1x1024x64xbf16> to vector<1024x64xbf16>
    %convert_element_type3A = arith.extf %get3A_3 : vector<1024x64xbf16> to vector<1024x64xf32>
    %get3A_4 = arith.constant 0 : index
    %get3A_5 = arith.constant 0 : index
    %get3A_6 = arith.constant 0 : index
    %get3A_7 = vector.load %arg2[%get3A_4, %get3A_5, %get3A_6] : memref<2x1024x64xbf16, #tpu.memory_space<vmem>>, vector<1x1024x64xbf16>
    %get3A_8 = vector.shape_cast %get3A_7 : vector<1x1024x64xbf16> to vector<1024x64xbf16>
    %convert_element_type3A_9 = arith.extf %get3A_8 : vector<1024x64xbf16> to vector<1024x64xf32>
    %add3A = arith.addf %convert_element_type3A, %convert_element_type3A_9 : vector<1024x64xf32>
    %get3A_10 = arith.constant 1 : index
    %get3A_11 = arith.constant 0 : index
    %get3A_12 = arith.constant 0 : index
    %get3A_13 = vector.load %arg1[%get3A_10, %get3A_11, %get3A_12] : memref<2x1024x64xbf16, #tpu.memory_space<vmem>>, vector<1x1024x64xbf16>
    %get3A_14 = vector.shape_cast %get3A_13 : vector<1x1024x64xbf16> to vector<1024x64xbf16>
    %convert_element_type3A_15 = arith.extf %get3A_14 : vector<1024x64xbf16> to vector<1024x64xf32>
    %get3A_16 = arith.constant 1 : index
    %get3A_17 = arith.constant 0 : index
    %get3A_18 = arith.constant 0 : index
    %get3A_19 = vector.load %arg2[%get3A_16, %get3A_17, %get3A_18] : memref<2x1024x64xbf16, #tpu.memory_space<vmem>>, vector<1x1024x64xbf16>
    %get3A_20 = vector.shape_cast %get3A_19 : vector<1x1024x64xbf16> to vector<1024x64xbf16>
    %convert_element_type3A_21 = arith.extf %get3A_20 : vector<1024x64xbf16> to vector<1024x64xf32>
    %add3A_22 = arith.addf %convert_element_type3A_15, %convert_element_type3A_21 : vector<1024x64xf32>
    %concatenate3A = tpu.concatenate %add3A, %add3A_22 in 1 : vector<1024x64xf32>, vector<1024x64xf32> -> vector<1024x128xf32>
    %get3A_23 = arith.constant 0 : index
    %get3A_24 = arith.constant 0 : index
    %get3A_25 = vector.load %arg3[%get3A_23, %get3A_24] : memref<1024x128xf32, #tpu.memory_space<vmem>>, vector<1024x128xf32>
    %mul3A = arith.mulf %get3A_25, %concatenate3A : vector<1024x128xf32>
    %get3A_26 = arith.constant 0 : index
    %get3A_27 = arith.constant 0 : index
    %get3A_28 = vector.load %arg5[%get3A_26, %get3A_27] : memref<1x128xf32, #tpu.memory_space<vmem>>, vector<1x128xf32>
    %add3A_29 = vector.broadcast %get3A_28 : vector<1x128xf32> to vector<1024x128xf32>
    %add3A_30 = arith.addf %mul3A, %add3A_29 : vector<1024x128xf32>
    %max3A = arith.constant 0.000000e+00 : f32
    %max3A_31 = vector.broadcast %max3A : f32 to vector<1024x128xf32>
    %max3A_32 = arith.maximumf %add3A_30, %max3A_31 : vector<1024x128xf32>
    %get3A_33 = arith.constant 0 : index
    %get3A_34 = arith.constant 0 : index
    %get3A_35 = vector.load %arg4[%get3A_33, %get3A_34] : memref<128x64xf32, #tpu.memory_space<vmem>>, vector<128x64xf32>
    %dot_general3A = arith.constant dense<0.000000e+00> : vector<1024x64xf32>
    %dot_general3A_36 = tpu.matmul %max3A_32, %get3A_35, %dot_general3A {dimension_numbers = #tpu.dot_dimension_numbers<[1], [0], [0], [1], [0, 0, 1, 1], [], []>, transpose_lhs_hint = false} : vector<1024x128xf32>, vector<128x64xf32>, vector<1024x64xf32> -> vector<1024x64xf32>
    %get3A_37 = arith.constant 0 : index
    %get3A_38 = arith.constant 0 : index
    %get3A_39 = vector.load %arg3[%get3A_37, %get3A_38] : memref<1024x128xf32, #tpu.memory_space<vmem>>, vector<1024x64xf32>
    %mul3A_40 = arith.mulf %get3A_39, %dot_general3A_36 : vector<1024x64xf32>
    %slice3A = vector.extract_strided_slice %mul3A_40 {offsets = [0, 0], sizes = [1024, 32], strides = [1, 1]} : vector<1024x64xf32> to vector<1024x32xf32>
    %convert_element_type3A_41 = arith.truncf %slice3A : vector<1024x32xf32> to vector<1024x32xbf16>
    %swap3A = arith.constant 0 : index
    %swap3A_42 = arith.constant 0 : index
    %swap3A_43 = arith.constant 0 : index
    %swap3A_44 = vector.load %arg6[%swap3A, %swap3A_42, %swap3A_43] : memref<2x1024x32xbf16, #tpu.memory_space<vmem>>, vector<1x1024x32xbf16>
    %swap3A_45 = vector.shape_cast %swap3A_44 : vector<1x1024x32xbf16> to vector<1024x32xbf16>
    %swap3A_46 = vector.shape_cast %convert_element_type3A_41 : vector<1024x32xbf16> to vector<1x1024x32xbf16>
    tpu.vector_store %arg6[%swap3A, %swap3A_42, %swap3A_43], %swap3A_46 {strides = array<i32>} : memref<2x1024x32xbf16, #tpu.memory_space<vmem>>, vector<1x1024x32xbf16>,
    %slice3A_47 = vector.extract_strided_slice %mul3A_40 {offsets = [0, 32], sizes = [1024, 32], strides = [1, 1]} : vector<1024x64xf32> to vector<1024x32xf32>
    %convert_element_type3A_48 = arith.truncf %slice3A_47 : vector<1024x32xf32> to vector<1024x32xbf16>
    %swap3A_49 = arith.constant 1 : index
    %swap3A_50 = arith.constant 0 : index
    %swap3A_51 = arith.constant 0 : index
    %swap3A_52 = vector.load %arg6[%swap3A_49, %swap3A_50, %swap3A_51] : memref<2x1024x32xbf16, #tpu.memory_space<vmem>>, vector<1x1024x32xbf16>
    %swap3A_53 = vector.shape_cast %swap3A_52 : vector<1x1024x32xbf16> to vector<1024x32xbf16>
    %swap3A_54 = vector.shape_cast %convert_element_type3A_48 : vector<1024x32xbf16> to vector<1x1024x32xbf16>
    tpu.vector_store %arg6[%swap3A_49, %swap3A_50, %swap3A_51], %swap3A_54 {strides = array<i32>} : memref<2x1024x32xbf16, #tpu.memory_space<vmem>>, vector<1x1024x32xbf16>,
    return
  }
  func.func @transform_0(%arg0: i32) -> (i32, i32, i32) {
    %c0_i32 = arith.constant 0 : i32
    %c0_i32_0 = arith.constant 0 : i32
    %c0_i32_1 = arith.constant 0 : i32
    return %c0_i32, %arg0, %c0_i32_0 : i32, i32, i32
  }
  func.func @transform_1(%arg0: i32) -> (i32, i32, i32) {
    %c0_i32 = arith.constant 0 : i32
    %c0_i32_0 = arith.constant 0 : i32
    %c0_i32_1 = arith.constant 0 : i32
    return %c0_i32, %arg0, %c0_i32_0 : i32, i32, i32
  }
  func.func @transform_2(%arg0: i32) -> (i32, i32) {
    %c0_i32 = arith.constant 0 : i32
    %c0_i32_0 = arith.constant 0 : i32
    return %arg0, %c0_i32 : i32, i32
  }
  func.func @transform_3(%arg0: i32) -> (i32, i32) {
    %c0_i32 = arith.constant 0 : i32
    %c0_i32_0 = arith.constant 0 : i32
    %c0_i32_1 = arith.constant 0 : i32
    return %c0_i32, %c0_i32_0 : i32, i32
  }
  func.func @transform_4(%arg0: i32) -> (i32, i32) {
    %c0_i32 = arith.constant 0 : i32
    %c0_i32_0 = arith.constant 0 : i32
    %c0_i32_1 = arith.constant 0 : i32
    return %c0_i32, %c0_i32_0 : i32, i32
  }
  func.func @transform_5(%arg0: i32) -> (i32, i32, i32) {
    %c0_i32 = arith.constant 0 : i32
    %c0_i32_0 = arith.constant 0 : i32
    %c0_i32_1 = arith.constant 0 : i32
    return %c0_i32, %arg0, %c0_i32_0 : i32, i32, i32
  }
}

module attributes {stable_mosaic.version = 14 : i64} {
  func.func @body(%arg0: i32, %arg1: memref<2x1024x32xbf16, #tpu.memory_space<vmem>>, %arg2: memref<2x1024x32xbf16, #tpu.memory_space<vmem>>, %arg3: memref<1024x128xf32, #tpu.memory_space<vmem>>, %arg4: memref<1x64xf32, #tpu.memory_space<vmem>>, %arg5: memref<1024x64xf32, #tpu.memory_space<vmem>>) attributes {dimension_semantics = [#tpu.dimension_semantics<arbitrary>], iteration_bounds = array<i64: 10>, scalar_prefetch = 0 : i64, scratch_operands = 0 : i64, tpu.core_type = #tpu.core_type<tc>, window_params = [{transform_indices = @transform_0, window_bounds = array<i64: 2, 1024, 32>}, {transform_indices = @transform_1, window_bounds = array<i64: 2, 1024, 32>}, {transform_indices = @transform_2, window_bounds = array<i64: 1024, 128>}, {pipeline_mode = #tpu.pipeline_mode<synchronous>, transform_indices = @transform_3, window_bounds = array<i64: 1, 64>}, {transform_indices = @transform_4, window_bounds = array<i64: 1024, 64>}]} {
    %get3A = arith.constant 0 : index
    %get3A_0 = arith.constant 0 : index
    %get3A_1 = arith.constant 0 : index
    %get3A_2 = vector.load %arg1[%get3A, %get3A_0, %get3A_1] : memref<2x1024x32xbf16, #tpu.memory_space<vmem>>, vector<1x1024x32xbf16>
    %get3A_3 = vector.shape_cast %get3A_2 : vector<1x1024x32xbf16> to vector<1024x32xbf16>
    %convert_element_type3A = arith.extf %get3A_3 : vector<1024x32xbf16> to vector<1024x32xf32>
    %get3A_4 = arith.constant 0 : index
    %get3A_5 = arith.constant 0 : index
    %get3A_6 = arith.constant 0 : index
    %get3A_7 = vector.load %arg2[%get3A_4, %get3A_5, %get3A_6] : memref<2x1024x32xbf16, #tpu.memory_space<vmem>>, vector<1x1024x32xbf16>
    %get3A_8 = vector.shape_cast %get3A_7 : vector<1x1024x32xbf16> to vector<1024x32xbf16>
    %convert_element_type3A_9 = arith.extf %get3A_8 : vector<1024x32xbf16> to vector<1024x32xf32>
    %add3A = arith.addf %convert_element_type3A, %convert_element_type3A_9 : vector<1024x32xf32>
    %get3A_10 = arith.constant 1 : index
    %get3A_11 = arith.constant 0 : index
    %get3A_12 = arith.constant 0 : index
    %get3A_13 = vector.load %arg1[%get3A_10, %get3A_11, %get3A_12] : memref<2x1024x32xbf16, #tpu.memory_space<vmem>>, vector<1x1024x32xbf16>
    %get3A_14 = vector.shape_cast %get3A_13 : vector<1x1024x32xbf16> to vector<1024x32xbf16>
    %convert_element_type3A_15 = arith.extf %get3A_14 : vector<1024x32xbf16> to vector<1024x32xf32>
    %get3A_16 = arith.constant 1 : index
    %get3A_17 = arith.constant 0 : index
    %get3A_18 = arith.constant 0 : index
    %get3A_19 = vector.load %arg2[%get3A_16, %get3A_17, %get3A_18] : memref<2x1024x32xbf16, #tpu.memory_space<vmem>>, vector<1x1024x32xbf16>
    %get3A_20 = vector.shape_cast %get3A_19 : vector<1x1024x32xbf16> to vector<1024x32xbf16>
    %convert_element_type3A_21 = arith.extf %get3A_20 : vector<1024x32xbf16> to vector<1024x32xf32>
    %add3A_22 = arith.addf %convert_element_type3A_15, %convert_element_type3A_21 : vector<1024x32xf32>
    %concatenate3A = tpu.concatenate %add3A, %add3A_22 in 1 : vector<1024x32xf32>, vector<1024x32xf32> -> vector<1024x64xf32>
    %get3A_23 = arith.constant 0 : index
    %get3A_24 = arith.constant 0 : index
    %get3A_25 = vector.load %arg3[%get3A_23, %get3A_24] : memref<1024x128xf32, #tpu.memory_space<vmem>>, vector<1024x64xf32>
    %mul3A = arith.mulf %get3A_25, %concatenate3A : vector<1024x64xf32>
    %get3A_26 = arith.constant 0 : index
    %get3A_27 = arith.constant 0 : index
    %get3A_28 = vector.load %arg4[%get3A_26, %get3A_27] : memref<1x64xf32, #tpu.memory_space<vmem>>, vector<1x64xf32>
    %add3A_29 = vector.broadcast %get3A_28 : vector<1x64xf32> to vector<1024x64xf32>
    %add3A_30 = arith.addf %mul3A, %add3A_29 : vector<1024x64xf32>
    %swap3A = arith.constant 0 : index
    %swap3A_31 = arith.constant 0 : index
    %swap3A_32 = vector.load %arg5[%swap3A, %swap3A_31] : memref<1024x64xf32, #tpu.memory_space<vmem>>, vector<1024x64xf32>
    tpu.vector_store %arg5[%swap3A, %swap3A_31], %add3A_30 {strides = array<i32>} : memref<1024x64xf32, #tpu.memory_space<vmem>>, vector<1024x64xf32>,
    return
  }
  func.func @transform_0(%arg0: i32) -> (i32, i32, i32) {
    %c0_i32 = arith.constant 0 : i32
    %c0_i32_0 = arith.constant 0 : i32
    %c0_i32_1 = arith.constant 0 : i32
    return %c0_i32, %arg0, %c0_i32_0 : i32, i32, i32
  }
  func.func @transform_1(%arg0: i32) -> (i32, i32, i32) {
    %c0_i32 = arith.constant 0 : i32
    %c0_i32_0 = arith.constant 0 : i32
    %c0_i32_1 = arith.constant 0 : i32
    return %c0_i32, %arg0, %c0_i32_0 : i32, i32, i32
  }
  func.func @transform_2(%arg0: i32) -> (i32, i32) {
    %c0_i32 = arith.constant 0 : i32
    %c0_i32_0 = arith.constant 0 : i32
    return %arg0, %c0_i32 : i32, i32
  }
  func.func @transform_3(%arg0: i32) -> (i32, i32) {
    %c0_i32 = arith.constant 0 : i32
    %c0_i32_0 = arith.constant 0 : i32
    %c0_i32_1 = arith.constant 0 : i32
    return %c0_i32, %c0_i32_0 : i32, i32
  }
  func.func @transform_4(%arg0: i32) -> (i32, i32) {
    %c0_i32 = arith.constant 0 : i32
    %c0_i32_0 = arith.constant 0 : i32
    return %arg0, %c0_i32 : i32, i32
  }
}

</mosaic_0001>

<sc_bundles>
// kernel: kernel.11.cloned.1.call-start
scs
__scs_entry_jumppad:
0x0: {  	(pc) =	sbr.rel $0x88, $3  }
0x1: {  	(tag) =	ssettag $0x0;
	lr =	simm.s32 $0x1  }
0x2: {  	[smem:$0x3F9B] =	sst lr;
	_ =	strace $0xD0000000  }
0x3: {  	_ = 	snop  }
0x4: {  	_ = 	snop  }
0x5: {  	_ = 	snop  }
0x6: {  	_ = 	snop  }
0x7: {  	_ = 	snop  }
__scs_overlays_trampoline_lowered:
0x8: {  	[smem:$0x3FAA] =	sst s0  }
0x9: {  	[smem:$0x3FAB] =	sst s1  }
0xa: {  	[smem:$0x3FAC] =	sst s2  }
0xb: {  	[smem:$0x3FAD] =	sst s3  }
0xc: {  	[smem:$0x3FAE] =	sst s4  }
0xd: {  	[smem:$0x3FAF] =	sst s5  }
0xe: {  	[smem:$0x3FB0] =	sst s6  }
0xf: {  	[smem:$0x3FB1] =	sst s7  }
0x10: {  	[smem:$0x3FB2] =	sst s8  }
0x11: {  	[smem:$0x3FB3] =	sst s9;
	s0 =	simm.s32 @!p0 $0x0  }
0x12: {  	s1 =	sld [smem:$0x3F99];
	s0 =	simm.s32 @p0 $0x1  }
0x13: {  	[smem:$0x3FB4] =	sst s0;
	s0 =	simm.s32 @!p1 $0x0  }
0x14: {  	s2 =	sld [smem:$0x3F98];
	s0 =	simm.s32 @p1 $0x1  }
0x15: {  	[smem:$0x3FB5] =	sst s0;
	s0 =	simm.s32 @!p2 $0x0  }
0x16: {  	s3 =	sld [smem:$0x3FDB];
	s0 =	simm.s32 @p2 $0x1  }
0x17: {  	s4 =	simm.s32 $0x1BF5;
	[smem:$0x3FB7] =	sst s0  }
0x18: {  	s0 =	sld [smem:$0x3F9A];
	_ =	swait.ge [sflag:s4], $0x0  }
0x19: {  	s7 =	sld [smem:$0x3F9B]  }
0x1a: {  	s8 =	sadd.s32 $0xFFFFE003, lr  }
0x1b: {  	s9 =	sadd.s32 $0xFFFFFEF7, lr;
	s5 =	simm.s32 $0xFFFFFFFF;
	p2 =	slt.u32 s8, $0xFFFFF086  }
0x1c: {  	p1 =	slt.u32 s9, $0xF7A;
	s5 =	simm.s32 @!p2 $0x0  }
0x1d: {  	s5 =	simm.s32 @p1 $0x1;
	p0 =	seq.s32 s7, s2  }
0x1e: {  	s7 =	smul.u32 @!p0 $0xF7A, s2;
	p2 =	seq.s32 @!p0 s5, $0x0  }
0x1f: {  	s9 =	smul.u32 $0xF7A, s1;
	s8 =	simm.s32 @!p0 $0x1BF5;
	p2 =	por !p2, p0  }
0x20: {  	[sflag:s8] =	ssyncset.s32 @!p0 $0xFFFFF086;
	s6 =	sadd.s32 @!p0 s3, s7;
	s7 =	simm.s32 @!p0 $0x108  }
0x21: {  	s3 =	sadd.s32 s3, s9;
	s6 =	sadd.s32 @!p0 $0x88, s6;
	s7 =	simm.s32 @p2 $0x1082  }
0x22: {  	[simem:s7], [sflag:s8] =	dma.local @!p0 [hbm:s6], $0xF7A  }
0x23: {  	s9 =	sor.u32 $0xD0000000, s2;
	s6 =	simm.s32 $0x108;
	_ =	swait.ge @!p0 [sflag:s8], $0x0  }
0x24: {  	s3 =	sadd.s32 $0x88, s3;
	s6 =	simm.s32 @!p1 $0x1082;
	[sflag:s4] =	ssyncset.s32 $0xFFFFF086  }
0x25: {  	[simem:s6], [sflag:s4] =	dma.local [hbm:s3], $0xF7A  }
0x26: {  	[smem:$0x3F9B] =	sst s1;
	(tag) =	ssettag s2;
	_ =	strace s9  }
0x27: {  	s1 =	sld [smem:$0x3FAB]  }
0x28: {  	s2 =	sld [smem:$0x3FAC]  }
0x29: {  	s4 =	sld [smem:$0x3FAE]  }
0x2a: {  	p0 =	seq.s32 s5, $0x0;
	s5 =	sld [smem:$0x3FAF]  }
0x2b: {  	s6 =	sld [smem:$0x3FB0]  }
0x2c: {  	s7 =	sld [smem:$0x3FB1]  }
0x2d: {  	s3 =	simm.s32 $0x108;
	s8 =	sld [smem:$0x3FB2]  }
0x2e: {  	s3 =	simm.s32 @!p0 $0x1082;
	s9 =	sld [smem:$0x3FB3]  }
0x2f: {  	lr =	sadd.s32 s0, s3;
	s0 =	sld [smem:$0x3FAA]  }
0x30: {  	s3 =	sld [smem:$0x3FAD]  }
0x31: {  	[smem:$0x3FB6] =	sst s10  }
0x32: {  	s10 =	sld [smem:$0x3FB4];
	_ =	sdelay $0x3  }
0x33: {  	p0 =	seq.s32 s10, $0x1;
	s10 =	sld [smem:$0x3FB6];
	_ =	sdelay $0x3  }
0x34: {  	[smem:$0x3FB6] =	sst s10  }
0x35: {  	s10 =	sld [smem:$0x3FB5];
	_ =	sdelay $0x3  }
0x36: {  	p1 =	seq.s32 s10, $0x1;
	s10 =	sld [smem:$0x3FB6];
	_ =	sdelay $0x3  }
0x37: {  	[smem:$0x3FB6] =	sst s10  }
0x38: {  	s10 =	sld [smem:$0x3FB7]  }
0x39: {  	_ = 	snop;
	(pc) =	sbr.ind lr, $3  }
0x3a: {  	_ = 	snop  }
0x3b: {  	_ = 	snop  }
0x3c: {  	p2 =	seq.s32 s10, $0x1;
	s10 =	sld [smem:$0x3FB6]  }
0x3d: {  	_ =	shalt  }
0x3e: {  	_ =	shalt  }
0x3f: {  	_ =	shalt  }
0x40: {  	_ =	shalt  }
0x41: {  	_ =	shalt  }
0x42: {  	_ =	shalt  }
0x43: {  	_ =	shalt  }
0x44: {  	_ =	shalt  }
0x45: {  	_ =	shalt  }
0x46: {  	_ =	shalt  }
0x47: {  	_ =	shalt  }
0x48: {  	_ =	shalt  }
0x49: {  	_ =	shalt  }
0x4a: {  	_ =	shalt  }
0x4b: {  	_ =	shalt  }
0x4c: {  	_ =	shalt  }
0x4d: {  	_ =	shalt  }
0x4e: {  	_ =	shalt  }
0x4f: {  	_ =	shalt  }
0x50: {  	_ =	shalt  }
0x51: {  	_ =	shalt  }
0x52: {  	_ =	shalt  }
0x53: {  	_ =	shalt  }
0x54: {  	_ =	shalt  }
0x55: {  	_ =	shalt  }
0x56: {  	_ =	shalt  }
0x57: {  	_ =	shalt  }
0x58: {  	_ =	shalt  }
0x59: {  	_ =	shalt  }
0x5a: {  	_ =	shalt  }
0x5b: {  	_ =	shalt  }
0x5c: {  	_ =	shalt  }
0x5d: {  	_ =	shalt  }
0x5e: {  	_ =	shalt  }
0x5f: {  	_ =	shalt  }
0x60: {  	_ =	shalt  }
0x61: {  	_ =	shalt  }
0x62: {  	_ =	shalt  }
0x63: {  	_ =	shalt  }
0x64: {  	_ =	shalt  }
0x65: {  	_ =	shalt  }
0x66: {  	_ =	shalt  }
0x67: {  	_ =	shalt  }
0x68: {  	_ =	shalt  }
0x69: {  	_ =	shalt  }
0x6a: {  	_ =	shalt  }
0x6b: {  	_ =	shalt  }
0x6c: {  	_ =	shalt  }
0x6d: {  	_ =	shalt  }
0x6e: {  	_ =	shalt  }
0x6f: {  	_ =	shalt  }
0x70: {  	_ =	shalt  }
0x71: {  	_ =	shalt  }
0x72: {  	_ =	shalt  }
0x73: {  	_ =	shalt  }
0x74: {  	_ =	shalt  }
0x75: {  	_ =	shalt  }
0x76: {  	_ =	shalt  }
0x77: {  	_ =	shalt  }
0x78: {  	_ =	shalt  }
0x79: {  	_ =	shalt  }
0x7a: {  	_ =	shalt  }
0x7b: {  	_ =	shalt  }
0x7c: {  	_ =	shalt  }
0x7d: {  	_ =	shalt  }
0x7e: {  	_ =	shalt  }
0x7f: {  	_ =	shalt  }
0x80: {  	_ =	shalt  }
0x81: {  	_ =	shalt  }
0x82: {  	_ =	shalt  }
0x83: {  	_ =	shalt  }
0x84: {  	_ =	shalt  }
0x85: {  	_ =	shalt  }
0x86: {  	_ =	shalt  }
0x87: {  	_ =	shalt  }
.Lfunc_end0:
.L_simem_size_0:
called_computation.1_lowered:
.L_overlay_start_0:
0x88: {  	s2 =	sld [smem:$0x3FD9]  }
0x89: {  	s3 =	sld [smem:$0x3FFE];
	_ =	sdelay $0x1  }
0x8a: {  	s1 =	srdreg.scid  }
0x8b: {  	s0 =	sand.u32 $0x1, s1  }
0x8c: {  	s17 =	sshll.u32 s0, $0xA;
	s2 =	sadd.s32 s3, s2  }
0x8d: {  	s2 =	sadd.s32 s2, s17  }
0x8e: {  	[smem:$0x3FC2] =	sst s2  }
0x8f: {  	_ = 	snop  }
0x90: {  	s2 =	sld [smem:$0x3FD0];
	(tm) =	ssettm $0x1  }
0x91: {  	s18 =	sld [smem:$0x3FFB];
	_ =	sdelay $0x3  }
0x92: {  	_ =	strace s18  }
0x93: {  	s3 =	sld [smem:$0x3FFC];
	_ =	sdelay $0x3  }
0x94: {  	_ =	strace s3  }
0x95: {  	s3 =	sld [smem:$0x3FFD];
	_ =	sdelay $0x3  }
0x96: {  	_ =	strace s3  }
0x97: {  	_ =	strace $0x8FFFFFFF  }
0x98: {  	s19 =	sld [smem:$0x3FDB];
	_ =	sdelay $0x1  }
0x99: {  	s4 =	simm.s32 $_scs_section_size  }
0x9a: {  	s5 =	simm.s32 $_size__tile_overlayer_lowered;
	s6 =	simm.s32 $_tile_overlayer_lowered  }
0x9b: {  	s22 =	simm.s32 $0x1BFF;
	s21 =	sshll.u32 s6, $0x1;
	s3 =	sadd.s32 s4, s19  }
0x9c: {  	s7 =	simm.s32 $0x0;
	s20 =	sshll.u32 s5, $0x1;
	s5 =	sadd.s32 s21, s3  }
0x9d: {  	[timem:s7], [sflag:s22] =	dma.local [hbm:s5], s20  }
0x9e: {  	_ =	swait.ge [sflag:s22], s20  }
0x9f: {  	s4 =	ssub.s32 $0x0, s20;
	[sflag:s22] =	ssyncset.done $0x0  }
0xa0: {  	[sflag:s22] =	ssyncadd.s32 s4;
	_ =	sdelay $0x1  }
0xa1: {  	s23 =	simm.s32 $0x1B8B  }
0xa2: {  	_ =	swait.ge [sflag:s23], $0x1  }
0xa3: {  	[sflag:s23] =	ssyncset.done $0x0  }
0xa4: {  	s25 =	simm.s32 $0x1B8E;
	s24 =	sld [smem:$0x3FFE];
	[sflag:s23] =	ssyncadd.s32 $0xFFFFFFFF  }
0xa5: {  	s26 =	simm.s32 $execute0_lowered;
	[smem:$0x3FD2] =	sst s25  }
0xa6: {  	s5 =	sshll.u32 s26, $0x1;
	_ =	strace $0x80000049;
	[dreg:$0x1] =	wrdreg $0xFFFFFFFF  }
0xa7: {  	s28 =	simm.s32 $_size_execute0_lowered;
	s3 =	sadd.s32 s3, s5;
	[dreg:$0x0] =	wrdreg $0x0  }
0xa8: {  	s5 =	sshll.u32 s28, $0x1;
	[dreg:$0x2] =	wrdreg s3  }
0xa9: {  	[dreg:$0x3] =	wrdreg s5  }
0xaa: {  	[dreg:$0x4] =	wrdreg $0xC0  }
0xab: {  	_ =	task [dreg:s7], $0x5FFFF  }
0xac: {  	[dreg:$0x1] =	wrdreg $0xFFFFFFFF  }
0xad: {  	[dreg:$0x0] =	wrdreg $0x60  }
0xae: {  	[dreg:$0x2] =	wrdreg s24  }
0xaf: {  	[dreg:$0x3] =	wrdreg s2  }
0xb0: {  	[dreg:$0x4] =	wrdreg $0xC0000  }
0xb1: {  	[dreg:$0x5] =	wrdreg $0x9  }
0xb2: {  	_ =	task.clear_ibuf [dreg:s7], $0x6FFFF;
	_ =	strace $0x90000049  }
0xb3: {  	s29 =	simm.s32 $0x9;
	_ =	strace $0x8000004B  }
0xb4: {  	_ =	swait.ge [sflag:s29], $0x1  }
0xb5: {  	[sflag:s29] =	ssyncadd.s32 $0xFFFFFFFF  }
0xb6: {  	_ =	strace $0x9000004B  }
0xb7: {  	_ =	sfence  }
0xb8: {  	s30 =	sld [smem:$0x0];
	_ =	sdelay $0x2  }
0xb9: {  	s31 =	sshll.u32 s1, $0xD;
	s1 =	sshrl.u32 s1, $0x2  }
0xba: {  	s3 =	sand.u32 $0x4000, s31;
	s1 =	sadd.s32 s1, s30  }
0xbb: {  	s0 =	sor.u32 s3, s0;
	s1 =	sshll.u32 s1, $0x11  }
0xbc: {  	s0 =	sor.u32 s1, s0  }
0xbd: {  	s0 =	sadd.s32 $0x8F2B, s0  }
0xbe: {  	[sflag:s0] =	ssyncadd.remote.s32 $0x1  }
0xbf: {  	_ =	sfence.sel $0xFFFF  }
0xc0: {  	[dreg:$0x0] =	wrdreg $0xFFFFFFFF;
	(pc) =	sbr.abs _section_cstart, $3  }
0xc1: {  	[dreg:$0x1] =	wrdreg $0xFFFFFFFF  }
0xc2: {  	_ =	task.clear_ibuf [dreg:s7], $0x2FFFF;
	_ =	strace $0x9FFFFFFF  }
0xc3: {  	(tm) =	ssettm $0x7FFFFFFF  }
tec
execute0_lowered:
.L_overlay_start_1:
0x0: {  	(tag) =	ssettag $0x1  }
0x1: {  	s4 =	rddreg [dreg:$0x0]  }
0x2: {  	s5 =	rddreg [dreg:$0x1]  }
0x3: {  	s2 =	rddreg [dreg:$0x2]  }
0x4: {  	s0 =	rddreg [dreg:$0x3];
	s1 =	stileid.u32  }
0x5: {  	s6 =	srdreg.scid;
	s3 =	simm.s32 $0x0;
	s15 =	simm.s32 $0xA000  }
0x6: {  	s16 =	simm.s32 $0x1;
	s17 =	simm.s32 $0x80;
	s7 =	smul.u32 $0xA00, s1  }
0x7: {  	s18 =	simm.s32 $0xB000;
	s19 =	simm.s32 $0x2;
	s9 =	smul.u32 $0x14000, s1  }
0x8: {  	s20 =	simm.s32 $0x9F00;
	s6 =	sand.u32 $0x1, s6;
	s12 =	smul.u32 $0xA000, s1  }
0x9: {  	s21 =	simm.s32 $0x9F80;
	[smem:$0x7FF] =	sst s3;
	s8 =	smul.u32 $0xA000, s6  }
0xa: {  	_ =	strace $0x8000004A;
	s6 =	ssub.s32 $0x2, s6;
	s10 =	sadd.s32 s7, s4  }
0xb: {  	s11 =	sshrl.u32 s6, $0x1;
	s29 =	sshrl.u32 s9, $0x2;
	s30 =	sshrl.u32 s12, $0x1  }
0xc: {  	s5 =	sadd.s32 s5, s7;
	s23 =	sshrl.u32 s12, $0x4;
	s13 =	sadd.s32 s8, s4  }
0xd: {  	s14 =	ssub.s32 s6, s11;
	s4 =	sadd.s32 $0xC000, s10;
	s31 =	sadd.s32 s29, s2  }
0xe: {  	s6 =	sadd.s32 s30, s2;
	s7 =	sadd.s32 $0x1000, s31;
	s8 =	sadd.s32 $0x2000, s31  }
0xf: {  	s9 =	sadd.s32 $0x3000, s31;
	s10 =	sadd.s32 $0x4000, s31;
	s11 =	sadd.s32 $0x3E000, s13  }
0x10: {  	s22 =	sadd.s32 $0x52000, s13;
	s12 =	smax.u32 s14, $0x1;
	s13 =	simm.s32 $0x3  }
0x11: {  	v0 =	vimm.bf16 $0.0e+00;
	s14 =	simm.s32 $0x5000;
	s22 =	sadd.s32 s23, s22;
	s23 =	simm.s32 $0x0  }
.LBB2_1:
0x12: {  	[tilespmem:s3], [sflag:$0x3] =	stream.linear.gather [hbm4b:s4+s3], $0x5000, $0x38;
	[tilespmem:$0x11000] =	vst v63  }
0x13: {  	_ =	swait.ge [sflag:s13], $0x5000  }
0x14: {  	[sflag:s13] =	ssyncset.done $0x0  }
0x15: {  	[sflag:s13] =	ssyncadd.s32 $0xFFFFB000  }
0x16: {  	[tilespmem:s14], [sflag:$0x3] =	stream.linear.gather [hbm4b:s5+s3], $0x5000, $0x38;
	[tilespmem:$0x11000] =	vst v63  }
0x17: {  	_ =	swait.ge [sflag:s13], $0x5000  }
0x18: {  	[sflag:s13] =	ssyncset.done $0x0  }
0x19: {  	s24 =	simm.s32 $0x80;
	s25 =	simm.s32 $0x0;
	[sflag:s13] =	ssyncadd.s32 $0xFFFFB000  }
.LBB2_2:
0x1a: {  	p0 =	sne.s32 s24, $0x3F80;
	[tilespmem:s25+$0xA000] =	vst v0;
	s26 =	smov.u32 s24;
	s24 =	sadd.s32 $0x80, s24  }
.Ltmp0:
0x1b: {  	[tilespmem:s25+$0xA010] =	vst v0;
	(pc) =	sbr.rel @p0 .LBB2_2-.Ltmp0, $2  }
0x1c: {  	_ =	sdelay $0x2  }
0x1d: {  	s25 =	sshra.s32 s26, $0x2  }
0x1e: {  	[tilespmem:s25+$0xA000] =	vst v0  }
0x1f: {  	[tilespmem:s25+$0xA010] =	vst v0  }
0x20: {  	[spmem:s6] =	stream.linear.scatter [tilespmem:s15], [sflag:$0x1], $0x1000, $0x38;
	[tilespmem:$0x11000] =	vst v63  }
0x21: {  	_ = 	snop  }
0x22: {  	[spmem:s7] =	stream.linear.scatter [tilespmem:s15], [sflag:$0x1], $0x1000, $0x38;
	[tilespmem:$0x11000] =	vst v63  }
0x23: {  	_ = 	snop  }
0x24: {  	[spmem:s8] =	stream.linear.scatter [tilespmem:s15], [sflag:$0x1], $0x1000, $0x38;
	[tilespmem:$0x11000] =	vst v63  }
0x25: {  	_ = 	snop  }
0x26: {  	[spmem:s9] =	stream.linear.scatter [tilespmem:s15], [sflag:$0x1], $0x1000, $0x38;
	[tilespmem:$0x11000] =	vst v63  }
0x27: {  	_ = 	snop  }
0x28: {  	[spmem:s10] =	stream.linear.scatter [tilespmem:s15], [sflag:$0x1], $0x1000, $0x38;
	[tilespmem:$0x11000] =	vst v63  }
0x29: {  	_ =	swait.ge [sflag:s16], $0x1000  }
0x2a: {  	[sflag:s16] =	ssyncset.done $0x0  }
0x2b: {  	[sflag:s16] =	ssyncadd.s32 $0xFFFFF000  }
0x2c: {  	_ =	swait.ge [sflag:s16], $0x1000  }
0x2d: {  	[sflag:s16] =	ssyncset.done $0x0  }
0x2e: {  	[sflag:s16] =	ssyncadd.s32 $0xFFFFF000  }
0x2f: {  	_ =	swait.ge [sflag:s16], $0x1000  }
0x30: {  	[sflag:s16] =	ssyncset.done $0x0  }
0x31: {  	[sflag:s16] =	ssyncadd.s32 $0xFFFFF000  }
0x32: {  	_ =	swait.ge [sflag:s16], $0x1000  }
0x33: {  	[sflag:s16] =	ssyncset.done $0x0  }
0x34: {  	[sflag:s16] =	ssyncadd.s32 $0xFFFFF000  }
0x35: {  	_ =	swait.ge [sflag:s16], $0x1000  }
0x36: {  	[sflag:s16] =	ssyncset.done $0x0  }
0x37: {  	[sflag:s16] =	ssyncadd.s32 $0xFFFFF000  }
0x38: {  	s24 =	simm.s32 $0x0;
	[bflag:$0x0] =	sbarrier.arrive $0xFFFF  }
0x39: {  	[tilespmem:s15], [sflag:$0x1] =	stream.indirect.gather [hbm4b:s11+s17], $0x20, s24, s17, $0xb8;
	[tilespmem:$0x11000] =	vst v63  }
0x3a: {  	_ = 	snop  }
0x3b: {  	[tilespmem:s18], [sflag:$0x2] =	stream.indirect.gather [hbm4b:s11+s17], $0x20, s17, s17, $0xb8;
	[tilespmem:$0x11000] =	vst v63  }
0x3c: {  	_ =	swait.ge [sflag:s16], $0x1000  }
0x3d: {  	[sflag:s16] =	ssyncset.done $0x0  }
0x3e: {  	s29 =	simm.s32 $0x5000;
	[sflag:s16] =	ssyncadd.s32 $0xFFFFF000  }
0x3f: {  	[spmem:s2] =	stream.indirect.scatter.add.bf16 [tilespmem:s15], [sflag:$0x3], $0x20, s29, s17, $0xb8;
	[tilespmem:$0x11000] =	vst v63  }
0x40: {  	_ =	swait.ge [sflag:s13], $0x1000  }
0x41: {  	[sflag:s13] =	ssyncset.done $0x0  }
0x42: {  	s30 =	simm.s32 $0x100;
	[sflag:s13] =	ssyncadd.s32 $0xFFFFF000  }
0x43: {  	[tilespmem:s15], [sflag:$0x1] =	stream.indirect.gather [hbm4b:s11+s17], $0x20, s30, s17, $0xb8;
	[tilespmem:$0x11000] =	vst v63  }
0x44: {  	_ =	swait.ge [sflag:s19], $0x1000  }
0x45: {  	[sflag:s19] =	ssyncset.done $0x0  }
0x46: {  	s31 =	simm.s32 $0x5080;
	[sflag:s19] =	ssyncadd.s32 $0xFFFFF000  }
0x47: {  	[spmem:s2] =	stream.indirect.scatter.add.bf16 [tilespmem:s18], [sflag:$0x3], $0x20, s31, s17, $0xb8;
	[tilespmem:$0x11000] =	vst v63  }
0x48: {  	_ =	swait.ge [sflag:s13], $0x1000  }
0x49: {  	[sflag:s13] =	ssyncset.done $0x0  }
0x4a: {  	s25 =	simm.s32 $0x180;
	s24 =	simm.s32 $0x400;
	[sflag:s13] =	ssyncadd.s32 $0xFFFFF000  }
.LBB2_4:
0x4b: {  	[tilespmem:s18], [sflag:$0x2] =	stream.indirect.gather [hbm4b:s11+s17], $0x20, s25, s17, $0xb8;
	[tilespmem:$0x11000] =	vst v63  }
0x4c: {  	s25 =	smov.u32 s24  }
0x4d: {  	p0 =	sne.s32 s24, $0x13800;
	s24 =	sadd.s32 $0x400, s24;
	_ =	swait.ge [sflag:s16], $0x1000  }
0x4e: {  	s25 =	sshra.s32 s25, $0x2;
	[sflag:s16] =	ssyncset.done $0x0  }
0x4f: {  	s26 =	sadd.s32 $0x5000, s25;
	[sflag:s16] =	ssyncadd.s32 $0xFFFFF000  }
0x50: {  	[spmem:s2] =	stream.indirect.scatter.add.bf16 [tilespmem:s15], [sflag:$0x3], $0x20, s26, s17, $0xb8;
	[tilespmem:$0x11000] =	vst v63  }
0x51: {  	_ =	swait.ge [sflag:s13], $0x1000  }
0x52: {  	[sflag:s13] =	ssyncset.done $0x0  }
0x53: {  	s26 =	sadd.s32 $0x100, s25;
	[sflag:s13] =	ssyncadd.s32 $0xFFFFF000  }
0x54: {  	[tilespmem:s15], [sflag:$0x1] =	stream.indirect.gather [hbm4b:s11+s17], $0x20, s26, s17, $0xb8;
	[tilespmem:$0x11000] =	vst v63  }
0x55: {  	_ =	swait.ge [sflag:s19], $0x1000  }
0x56: {  	[sflag:s19] =	ssyncset.done $0x0  }
.Ltmp1:
0x57: {  	s26 =	sadd.s32 $0x5080, s25;
	[sflag:s19] =	ssyncadd.s32 $0xFFFFF000;
	(pc) =	sbr.rel @p0 .LBB2_4-.Ltmp1, $4  }
0x58: {  	[spmem:s2] =	stream.indirect.scatter.add.bf16 [tilespmem:s18], [sflag:$0x3], $0x20, s26, s17, $0xb8;
	[tilespmem:$0x11000] =	vst v63  }
0x59: {  	_ =	swait.ge [sflag:s13], $0x1000  }
0x5a: {  	[sflag:s13] =	ssyncset.done $0x0  }
0x5b: {  	s25 =	sadd.s32 $0x180, s25;
	[sflag:s13] =	ssyncadd.s32 $0xFFFFF000  }
0x5c: {  	[tilespmem:s18], [sflag:$0x2] =	stream.indirect.gather [hbm4b:s11+s17], $0x20, s25, s17, $0xb8;
	[tilespmem:$0x11000] =	vst v63  }
0x5d: {  	_ =	swait.ge [sflag:s16], $0x1000  }
0x5e: {  	[sflag:s16] =	ssyncset.done $0x0  }
0x5f: {  	[sflag:s16] =	ssyncadd.s32 $0xFFFFF000  }
0x60: {  	[spmem:s2] =	stream.indirect.scatter.add.bf16 [tilespmem:s15], [sflag:$0x3], $0x20, s20, s17, $0xb8;
	[tilespmem:$0x11000] =	vst v63  }
0x61: {  	_ =	swait.ge [sflag:s13], $0x1000  }
0x62: {  	[sflag:s13] =	ssyncset.done $0x0  }
0x63: {  	[sflag:s13] =	ssyncadd.s32 $0xFFFFF000  }
0x64: {  	_ =	swait.ge [sflag:s19], $0x1000  }
0x65: {  	[sflag:s19] =	ssyncset.done $0x0  }
0x66: {  	[sflag:s19] =	ssyncadd.s32 $0xFFFFF000  }
0x67: {  	[spmem:s2] =	stream.indirect.scatter.add.bf16 [tilespmem:s18], [sflag:$0x3], $0x20, s21, s17, $0xb8;
	[tilespmem:$0x11000] =	vst v63  }
0x68: {  	_ =	swait.ge [sflag:s13], $0x1000  }
0x69: {  	s24 =	sshll.u32 s1, $0x6;
	s23 =	sadd.s32 $0x1, s23;
	[sflag:s13] =	ssyncset.done $0x0  }
0x6a: {  	s31 =	sshrl.u32 s6, $0x3;
	p0 =	sne.s32 s23, s12;
	[sflag:s13] =	ssyncadd.s32 $0xFFFFF000  }
.Ltmp2:
0x6b: {  	s24 =	sor.u32 $0x1C03, s24;
	[bflag:$0x0] =	sbarrier.arrive $0xFFFF;
	(pc) =	sbr.rel @p0 .LBB2_1-.Ltmp2, $4  }
0x6c: {  	[hbm:s22], [sflag:s24] =	dma.local [spmem:s31], $0xA00  }
0x6d: {  	_ =	swait.ge [sflag:s13], $0xA00  }
0x6e: {  	[sflag:s13] =	ssyncset.done $0x0  }
0x6f: {  	[sflag:s13] =	ssyncadd.s32 $0xFFFFF600  }
0x70: {  	_ =	sfence.sel $0x180000  }
0x71: {  	[bflag:$0x0] =	sbarrier.arrive $0xFFFF  }
0x72: {  	p0 =	sne.s32 s1, $0x0;
	_ =	strace $0x9000004A  }
0x73: {  	s0 =	sadd.s32 @!p0 $0x100000, s0;
	[bflag:$0x2] =	sbarrier.arrive $0xFFFF  }
0x74: {  	[sflag:s0] =	ssyncadd.tile.s32 @!p0 $0x1;
	_ =	shalt  }
.Lfunc_end2:
_tile_overlayer_lowered:
.L_overlay_start_2:
0x75: {  	(tag) =	ssettag $0x2  }
0x76: {  	s0 =	rddreg [dreg:$0x0];
	s2 =	stileid.u32  }
0x77: {  	s1 =	rddreg [dreg:$0x1];
	p0 =	sne.s32 s2, $0x0  }
0x78: {  	s3 =	rddreg [dreg:$0x2];
	[bflag:$0x3] =	sbarrier.arrive $0xFFFF;
	s2 =	simm.s32 @!p0 $0x1C03  }
0x79: {  	[timem:s3], [sflag:s2] =	dma.local @!p0 [hbm:s0], s1  }
0x7a: {  	s0 =	simm.s32 @!p0 $0x3  }
0x7b: {  	_ =	swait.ge @!p0 [sflag:s0], s1  }
0x7c: {  	s1 =	ssub.s32 @!p0 $0x0, s1;
	[sflag:s0] =	ssyncset.done @!p0 $0x0  }
0x7d: {  	[sflag:s0] =	ssyncadd.s32 @!p0 s1  }
0x7e: {  	[bflag:$0x3] =	sbarrier.arrive $0xFFFF  }
0x7f: {  	_ =	shalt  }

// kernel: kernel.14.cloned.1.call-start
scs
__scs_entry_jumppad:
0x0: {  	(pc) =	sbr.rel $0x88, $3  }
0x1: {  	(tag) =	ssettag $0x0;
	lr =	simm.s32 $0x1  }
0x2: {  	[smem:$0x3F9B] =	sst lr;
	_ =	strace $0xD0000000  }
0x3: {  	_ = 	snop  }
0x4: {  	_ = 	snop  }
0x5: {  	_ = 	snop  }
0x6: {  	_ = 	snop  }
0x7: {  	_ = 	snop  }
__scs_overlays_trampoline_lowered:
0x8: {  	[smem:$0x3FAA] =	sst s0  }
0x9: {  	[smem:$0x3FAB] =	sst s1  }
0xa: {  	[smem:$0x3FAC] =	sst s2  }
0xb: {  	[smem:$0x3FAD] =	sst s3  }
0xc: {  	[smem:$0x3FAE] =	sst s4  }
0xd: {  	[smem:$0x3FAF] =	sst s5  }
0xe: {  	[smem:$0x3FB0] =	sst s6  }
0xf: {  	[smem:$0x3FB1] =	sst s7  }
0x10: {  	[smem:$0x3FB2] =	sst s8  }
0x11: {  	[smem:$0x3FB3] =	sst s9;
	s0 =	simm.s32 @!p0 $0x0  }
0x12: {  	s1 =	sld [smem:$0x3F99];
	s0 =	simm.s32 @p0 $0x1  }
0x13: {  	[smem:$0x3FB4] =	sst s0;
	s0 =	simm.s32 @!p1 $0x0  }
0x14: {  	s2 =	sld [smem:$0x3F98];
	s0 =	simm.s32 @p1 $0x1  }
0x15: {  	[smem:$0x3FB5] =	sst s0;
	s0 =	simm.s32 @!p2 $0x0  }
0x16: {  	s3 =	sld [smem:$0x3FDB];
	s0 =	simm.s32 @p2 $0x1  }
0x17: {  	s4 =	simm.s32 $0x1BF5;
	[smem:$0x3FB7] =	sst s0  }
0x18: {  	s0 =	sld [smem:$0x3F9A];
	_ =	swait.ge [sflag:s4], $0x0  }
0x19: {  	s7 =	sld [smem:$0x3F9B]  }
0x1a: {  	s8 =	sadd.s32 $0xFFFFE003, lr  }
0x1b: {  	s9 =	sadd.s32 $0xFFFFFEF7, lr;
	s5 =	simm.s32 $0xFFFFFFFF;
	p2 =	slt.u32 s8, $0xFFFFF086  }
0x1c: {  	p1 =	slt.u32 s9, $0xF7A;
	s5 =	simm.s32 @!p2 $0x0  }
0x1d: {  	s5 =	simm.s32 @p1 $0x1;
	p0 =	seq.s32 s7, s2  }
0x1e: {  	s7 =	smul.u32 @!p0 $0xF7A, s2;
	p2 =	seq.s32 @!p0 s5, $0x0  }
0x1f: {  	s9 =	smul.u32 $0xF7A, s1;
	s8 =	simm.s32 @!p0 $0x1BF5;
	p2 =	por !p2, p0  }
0x20: {  	[sflag:s8] =	ssyncset.s32 @!p0 $0xFFFFF086;
	s6 =	sadd.s32 @!p0 s3, s7;
	s7 =	simm.s32 @!p0 $0x108  }
0x21: {  	s3 =	sadd.s32 s3, s9;
	s6 =	sadd.s32 @!p0 $0x88, s6;
	s7 =	simm.s32 @p2 $0x1082  }
0x22: {  	[simem:s7], [sflag:s8] =	dma.local @!p0 [hbm:s6], $0xF7A  }
0x23: {  	s9 =	sor.u32 $0xD0000000, s2;
	s6 =	simm.s32 $0x108;
	_ =	swait.ge @!p0 [sflag:s8], $0x0  }
0x24: {  	s3 =	sadd.s32 $0x88, s3;
	s6 =	simm.s32 @!p1 $0x1082;
	[sflag:s4] =	ssyncset.s32 $0xFFFFF086  }
0x25: {  	[simem:s6], [sflag:s4] =	dma.local [hbm:s3], $0xF7A  }
0x26: {  	[smem:$0x3F9B] =	sst s1;
	(tag) =	ssettag s2;
	_ =	strace s9  }
0x27: {  	s1 =	sld [smem:$0x3FAB]  }
0x28: {  	s2 =	sld [smem:$0x3FAC]  }
0x29: {  	s4 =	sld [smem:$0x3FAE]  }
0x2a: {  	p0 =	seq.s32 s5, $0x0;
	s5 =	sld [smem:$0x3FAF]  }
0x2b: {  	s6 =	sld [smem:$0x3FB0]  }
0x2c: {  	s7 =	sld [smem:$0x3FB1]  }
0x2d: {  	s3 =	simm.s32 $0x108;
	s8 =	sld [smem:$0x3FB2]  }
0x2e: {  	s3 =	simm.s32 @!p0 $0x1082;
	s9 =	sld [smem:$0x3FB3]  }
0x2f: {  	lr =	sadd.s32 s0, s3;
	s0 =	sld [smem:$0x3FAA]  }
0x30: {  	s3 =	sld [smem:$0x3FAD]  }
0x31: {  	[smem:$0x3FB6] =	sst s10  }
0x32: {  	s10 =	sld [smem:$0x3FB4];
	_ =	sdelay $0x3  }
0x33: {  	p0 =	seq.s32 s10, $0x1;
	s10 =	sld [smem:$0x3FB6];
	_ =	sdelay $0x3  }
0x34: {  	[smem:$0x3FB6] =	sst s10  }
0x35: {  	s10 =	sld [smem:$0x3FB5];
	_ =	sdelay $0x3  }
0x36: {  	p1 =	seq.s32 s10, $0x1;
	s10 =	sld [smem:$0x3FB6];
	_ =	sdelay $0x3  }
0x37: {  	[smem:$0x3FB6] =	sst s10  }
0x38: {  	s10 =	sld [smem:$0x3FB7]  }
0x39: {  	_ = 	snop;
	(pc) =	sbr.ind lr, $3  }
0x3a: {  	_ = 	snop  }
0x3b: {  	_ = 	snop  }
0x3c: {  	p2 =	seq.s32 s10, $0x1;
	s10 =	sld [smem:$0x3FB6]  }
0x3d: {  	_ =	shalt  }
0x3e: {  	_ =	shalt  }
0x3f: {  	_ =	shalt  }
0x40: {  	_ =	shalt  }
0x41: {  	_ =	shalt  }
0x42: {  	_ =	shalt  }
0x43: {  	_ =	shalt  }
0x44: {  	_ =	shalt  }
0x45: {  	_ =	shalt  }
0x46: {  	_ =	shalt  }
0x47: {  	_ =	shalt  }
0x48: {  	_ =	shalt  }
0x49: {  	_ =	shalt  }
0x4a: {  	_ =	shalt  }
0x4b: {  	_ =	shalt  }
0x4c: {  	_ =	shalt  }
0x4d: {  	_ =	shalt  }
0x4e: {  	_ =	shalt  }
0x4f: {  	_ =	shalt  }
0x50: {  	_ =	shalt  }
0x51: {  	_ =	shalt  }
0x52: {  	_ =	shalt  }
0x53: {  	_ =	shalt  }
0x54: {  	_ =	shalt  }
0x55: {  	_ =	shalt  }
0x56: {  	_ =	shalt  }
0x57: {  	_ =	shalt  }
0x58: {  	_ =	shalt  }
0x59: {  	_ =	shalt  }
0x5a: {  	_ =	shalt  }
0x5b: {  	_ =	shalt  }
0x5c: {  	_ =	shalt  }
0x5d: {  	_ =	shalt  }
0x5e: {  	_ =	shalt  }
0x5f: {  	_ =	shalt  }
0x60: {  	_ =	shalt  }
0x61: {  	_ =	shalt  }
0x62: {  	_ =	shalt  }
0x63: {  	_ =	shalt  }
0x64: {  	_ =	shalt  }
0x65: {  	_ =	shalt  }
0x66: {  	_ =	shalt  }
0x67: {  	_ =	shalt  }
0x68: {  	_ =	shalt  }
0x69: {  	_ =	shalt  }
0x6a: {  	_ =	shalt  }
0x6b: {  	_ =	shalt  }
0x6c: {  	_ =	shalt  }
0x6d: {  	_ =	shalt  }
0x6e: {  	_ =	shalt  }
0x6f: {  	_ =	shalt  }
0x70: {  	_ =	shalt  }
0x71: {  	_ =	shalt  }
0x72: {  	_ =	shalt  }
0x73: {  	_ =	shalt  }
0x74: {  	_ =	shalt  }
0x75: {  	_ =	shalt  }
0x76: {  	_ =	shalt  }
0x77: {  	_ =	shalt  }
0x78: {  	_ =	shalt  }
0x79: {  	_ =	shalt  }
0x7a: {  	_ =	shalt  }
0x7b: {  	_ =	shalt  }
0x7c: {  	_ =	shalt  }
0x7d: {  	_ =	shalt  }
0x7e: {  	_ =	shalt  }
0x7f: {  	_ =	shalt  }
0x80: {  	_ =	shalt  }
0x81: {  	_ =	shalt  }
0x82: {  	_ =	shalt  }
0x83: {  	_ =	shalt  }
0x84: {  	_ =	shalt  }
0x85: {  	_ =	shalt  }
0x86: {  	_ =	shalt  }
0x87: {  	_ =	shalt  }
.Lfunc_end0:
.L_simem_size_0:
called_computation.2_lowered:
.L_overlay_start_0:
0x88: {  	s2 =	sld [smem:$0x3FD9]  }
0x89: {  	s3 =	sld [smem:$0x3FFE];
	_ =	sdelay $0x1  }
0x8a: {  	s1 =	srdreg.scid  }
0x8b: {  	s0 =	sand.u32 $0x1, s1  }
0x8c: {  	s17 =	sshll.u32 s0, $0xA;
	s2 =	sadd.s32 s3, s2  }
0x8d: {  	s2 =	sadd.s32 s2, s17  }
0x8e: {  	[smem:$0x3FC2] =	sst s2  }
0x8f: {  	_ = 	snop  }
0x90: {  	s2 =	sld [smem:$0x3FD0];
	(tm) =	ssettm $0x1  }
0x91: {  	s18 =	sld [smem:$0x3FFB];
	_ =	sdelay $0x3  }
0x92: {  	_ =	strace s18  }
0x93: {  	s3 =	sld [smem:$0x3FFC];
	_ =	sdelay $0x3  }
0x94: {  	_ =	strace s3  }
0x95: {  	s3 =	sld [smem:$0x3FFD];
	_ =	sdelay $0x3  }
0x96: {  	_ =	strace s3  }
0x97: {  	_ =	strace $0x8FFFFFFF  }
0x98: {  	s19 =	sld [smem:$0x3FDB];
	_ =	sdelay $0x1  }
0x99: {  	s4 =	simm.s32 $_scs_section_size  }
0x9a: {  	s5 =	simm.s32 $_size__tile_overlayer_lowered;
	s6 =	simm.s32 $_tile_overlayer_lowered  }
0x9b: {  	s22 =	simm.s32 $0x1BFF;
	s21 =	sshll.u32 s6, $0x1;
	s3 =	sadd.s32 s4, s19  }
0x9c: {  	s7 =	simm.s32 $0x0;
	s20 =	sshll.u32 s5, $0x1;
	s5 =	sadd.s32 s21, s3  }
0x9d: {  	[timem:s7], [sflag:s22] =	dma.local [hbm:s5], s20  }
0x9e: {  	_ =	swait.ge [sflag:s22], s20  }
0x9f: {  	s4 =	ssub.s32 $0x0, s20;
	[sflag:s22] =	ssyncset.done $0x0  }
0xa0: {  	[sflag:s22] =	ssyncadd.s32 s4;
	_ =	sdelay $0x1  }
0xa1: {  	s23 =	simm.s32 $0x1B8B  }
0xa2: {  	_ =	swait.ge [sflag:s23], $0x1  }
0xa3: {  	[sflag:s23] =	ssyncset.done $0x0  }
0xa4: {  	s25 =	simm.s32 $0x1B8E;
	s24 =	sld [smem:$0x3FFE];
	[sflag:s23] =	ssyncadd.s32 $0xFFFFFFFF  }
0xa5: {  	s26 =	simm.s32 $execute0_lowered;
	[smem:$0x3FD2] =	sst s25  }
0xa6: {  	s5 =	sshll.u32 s26, $0x1;
	_ =	strace $0x8000004C;
	[dreg:$0x1] =	wrdreg $0xFFFFFFFF  }
0xa7: {  	s28 =	simm.s32 $_size_execute0_lowered;
	s3 =	sadd.s32 s3, s5;
	[dreg:$0x0] =	wrdreg $0x0  }
0xa8: {  	s5 =	sshll.u32 s28, $0x1;
	[dreg:$0x2] =	wrdreg s3  }
0xa9: {  	[dreg:$0x3] =	wrdreg s5  }
0xaa: {  	[dreg:$0x4] =	wrdreg $0xC0  }
0xab: {  	_ =	task [dreg:s7], $0x5FFFF  }
0xac: {  	[dreg:$0x1] =	wrdreg $0xFFFFFFFF  }
0xad: {  	[dreg:$0x0] =	wrdreg $0x60  }
0xae: {  	[dreg:$0x2] =	wrdreg s24  }
0xaf: {  	[dreg:$0x3] =	wrdreg s2  }
0xb0: {  	[dreg:$0x4] =	wrdreg $0xB0000  }
0xb1: {  	[dreg:$0x5] =	wrdreg $0x9  }
0xb2: {  	_ =	task.clear_ibuf [dreg:s7], $0x6FFFF;
	_ =	strace $0x9000004C  }
0xb3: {  	s29 =	simm.s32 $0x9;
	_ =	strace $0x8000004E  }
0xb4: {  	_ =	swait.ge [sflag:s29], $0x1  }
0xb5: {  	[sflag:s29] =	ssyncadd.s32 $0xFFFFFFFF  }
0xb6: {  	_ =	strace $0x9000004E  }
0xb7: {  	_ =	sfence  }
0xb8: {  	s30 =	sld [smem:$0x0];
	_ =	sdelay $0x2  }
0xb9: {  	s31 =	sshll.u32 s1, $0xD;
	s1 =	sshrl.u32 s1, $0x2  }
0xba: {  	s3 =	sand.u32 $0x4000, s31;
	s1 =	sadd.s32 s1, s30  }
0xbb: {  	s0 =	sor.u32 s3, s0;
	s1 =	sshll.u32 s1, $0x11  }
0xbc: {  	s0 =	sor.u32 s1, s0  }
0xbd: {  	s0 =	sadd.s32 $0x8F2B, s0  }
0xbe: {  	[sflag:s0] =	ssyncadd.remote.s32 $0x1  }
0xbf: {  	_ =	sfence.sel $0xFFFF  }
0xc0: {  	[dreg:$0x0] =	wrdreg $0xFFFFFFFF;
	(pc) =	sbr.abs _section_cstart, $3  }
0xc1: {  	[dreg:$0x1] =	wrdreg $0xFFFFFFFF  }
0xc2: {  	_ =	task.clear_ibuf [dreg:s7], $0x2FFFF;
	_ =	strace $0x9FFFFFFF  }
0xc3: {  	(tm) =	ssettm $0x7FFFFFFF  }
tec
execute0_lowered:
.L_overlay_start_1:
0x0: {  	(tag) =	ssettag $0x1  }
0x1: {  	s4 =	rddreg [dreg:$0x0]  }
0x2: {  	s5 =	rddreg [dreg:$0x1]  }
0x3: {  	s2 =	rddreg [dreg:$0x2]  }
0x4: {  	s0 =	rddreg [dreg:$0x3];
	s1 =	stileid.u32  }
0x5: {  	s6 =	srdreg.scid;
	s3 =	simm.s32 $0x0;
	s15 =	simm.s32 $0xA000  }
0x6: {  	s16 =	simm.s32 $0x1;
	s17 =	simm.s32 $0x80;
	s7 =	smul.u32 $0xA00, s1  }
0x7: {  	s18 =	simm.s32 $0xA800;
	s19 =	simm.s32 $0x2;
	s9 =	smul.u32 $0xA000, s1  }
0x8: {  	s20 =	simm.s32 $0x9F00;
	s6 =	sand.u32 $0x1, s6;
	s12 =	smul.u32 $0x5000, s1  }
0x9: {  	s21 =	simm.s32 $0x9F80;
	[smem:$0x7FF] =	sst s3;
	s8 =	smul.u32 $0x5000, s6  }
0xa: {  	_ =	strace $0x8000004D;
	s6 =	ssub.s32 $0x2, s6;
	s10 =	sadd.s32 s7, s4  }
0xb: {  	s11 =	sshrl.u32 s6, $0x1;
	s29 =	sshrl.u32 s9, $0x2;
	s30 =	sshrl.u32 s12, $0x1  }
0xc: {  	s5 =	sadd.s32 s5, s7;
	s23 =	sshrl.u32 s12, $0x4;
	s13 =	sadd.s32 s8, s4  }
0xd: {  	s14 =	ssub.s32 s6, s11;
	s4 =	sadd.s32 $0xC000, s10;
	s31 =	sadd.s32 s29, s2  }
0xe: {  	s6 =	sadd.s32 s30, s2;
	s7 =	sadd.s32 $0x800, s31;
	s8 =	sadd.s32 $0x1000, s31  }
0xf: {  	s9 =	sadd.s32 $0x1800, s31;
	s10 =	sadd.s32 $0x2000, s31;
	s11 =	sadd.s32 $0x2000, s13  }
0x10: {  	s22 =	sadd.s32 $0x16000, s13;
	s12 =	smax.u32 s14, $0x1;
	s13 =	simm.s32 $0x3  }
0x11: {  	v0 =	vimm.bf16 $0.0e+00;
	s14 =	simm.s32 $0x5000;
	s22 =	sadd.s32 s23, s22;
	s23 =	simm.s32 $0x0  }
.LBB2_1:
0x12: {  	[tilespmem:s3], [sflag:$0x3] =	stream.linear.gather [hbm4b:s4+s3], $0x5000, $0x38;
	[tilespmem:$0xD800] =	vst v63  }
0x13: {  	_ =	swait.ge [sflag:s13], $0x5000  }
0x14: {  	[sflag:s13] =	ssyncset.done $0x0  }
0x15: {  	[sflag:s13] =	ssyncadd.s32 $0xFFFFB000  }
0x16: {  	[tilespmem:s14], [sflag:$0x3] =	stream.linear.gather [hbm4b:s5+s3], $0x5000, $0x38;
	[tilespmem:$0xD800] =	vst v63  }
0x17: {  	_ =	swait.ge [sflag:s13], $0x5000  }
0x18: {  	[sflag:s13] =	ssyncset.done $0x0  }
0x19: {  	s24 =	simm.s32 $0x40;
	s25 =	simm.s32 $0x0;
	[sflag:s13] =	ssyncadd.s32 $0xFFFFB000  }
.LBB2_2:
0x1a: {  	p0 =	sne.s32 s24, $0x1FC0;
	[tilespmem:s25+$0xA000] =	vst v0;
	s25 =	smov.u32 s24;
	s24 =	sadd.s32 $0x40, s24  }
.Ltmp0:
0x1b: {  	(pc) =	sbr.rel @p0 .LBB2_2-.Ltmp0, $2  }
0x1c: {  	_ =	sdelay $0x2  }
0x1d: {  	s25 =	sshra.s32 s25, $0x2  }
0x1e: {  	[tilespmem:s25+$0xA000] =	vst v0  }
0x1f: {  	[spmem:s6] =	stream.linear.scatter [tilespmem:s15], [sflag:$0x1], $0x800, $0x38;
	[tilespmem:$0xD800] =	vst v63  }
0x20: {  	_ = 	snop  }
0x21: {  	[spmem:s7] =	stream.linear.scatter [tilespmem:s15], [sflag:$0x1], $0x800, $0x38;
	[tilespmem:$0xD800] =	vst v63  }
0x22: {  	_ = 	snop  }
0x23: {  	[spmem:s8] =	stream.linear.scatter [tilespmem:s15], [sflag:$0x1], $0x800, $0x38;
	[tilespmem:$0xD800] =	vst v63  }
0x24: {  	_ = 	snop  }
0x25: {  	[spmem:s9] =	stream.linear.scatter [tilespmem:s15], [sflag:$0x1], $0x800, $0x38;
	[tilespmem:$0xD800] =	vst v63  }
0x26: {  	_ = 	snop  }
0x27: {  	[spmem:s10] =	stream.linear.scatter [tilespmem:s15], [sflag:$0x1], $0x800, $0x38;
	[tilespmem:$0xD800] =	vst v63  }
0x28: {  	_ =	swait.ge [sflag:s16], $0x800  }
0x29: {  	[sflag:s16] =	ssyncset.done $0x0  }
0x2a: {  	[sflag:s16] =	ssyncadd.s32 $0xFFFFF800  }
0x2b: {  	_ =	swait.ge [sflag:s16], $0x800  }
0x2c: {  	[sflag:s16] =	ssyncset.done $0x0  }
0x2d: {  	[sflag:s16] =	ssyncadd.s32 $0xFFFFF800  }
0x2e: {  	_ =	swait.ge [sflag:s16], $0x800  }
0x2f: {  	[sflag:s16] =	ssyncset.done $0x0  }
0x30: {  	[sflag:s16] =	ssyncadd.s32 $0xFFFFF800  }
0x31: {  	_ =	swait.ge [sflag:s16], $0x800  }
0x32: {  	[sflag:s16] =	ssyncset.done $0x0  }
0x33: {  	[sflag:s16] =	ssyncadd.s32 $0xFFFFF800  }
0x34: {  	_ =	swait.ge [sflag:s16], $0x800  }
0x35: {  	[sflag:s16] =	ssyncset.done $0x0  }
0x36: {  	[sflag:s16] =	ssyncadd.s32 $0xFFFFF800  }
0x37: {  	s24 =	simm.s32 $0x0;
	[bflag:$0x0] =	sbarrier.arrive $0xFFFF  }
0x38: {  	[tilespmem:s15], [sflag:$0x1] =	stream.indirect.gather [hbm4b:s11+s17], $0x10, s24, s17, $0xb8;
	[tilespmem:$0xD800] =	vst v63  }
0x39: {  	_ = 	snop  }
0x3a: {  	[tilespmem:s18], [sflag:$0x2] =	stream.indirect.gather [hbm4b:s11+s17], $0x10, s17, s17, $0xb8;
	[tilespmem:$0xD800] =	vst v63  }
0x3b: {  	_ =	swait.ge [sflag:s16], $0x800  }
0x3c: {  	[sflag:s16] =	ssyncset.done $0x0  }
0x3d: {  	s29 =	simm.s32 $0x5000;
	[sflag:s16] =	ssyncadd.s32 $0xFFFFF800  }
0x3e: {  	[spmem:s2] =	stream.indirect.scatter.add.bf16 [tilespmem:s15], [sflag:$0x3], $0x10, s29, s17, $0xb8;
	[tilespmem:$0xD800] =	vst v63  }
0x3f: {  	_ =	swait.ge [sflag:s13], $0x800  }
0x40: {  	[sflag:s13] =	ssyncset.done $0x0  }
0x41: {  	s30 =	simm.s32 $0x100;
	[sflag:s13] =	ssyncadd.s32 $0xFFFFF800  }
0x42: {  	[tilespmem:s15], [sflag:$0x1] =	stream.indirect.gather [hbm4b:s11+s17], $0x10, s30, s17, $0xb8;
	[tilespmem:$0xD800] =	vst v63  }
0x43: {  	_ =	swait.ge [sflag:s19], $0x800  }
0x44: {  	[sflag:s19] =	ssyncset.done $0x0  }
0x45: {  	s31 =	simm.s32 $0x5080;
	[sflag:s19] =	ssyncadd.s32 $0xFFFFF800  }
0x46: {  	[spmem:s2] =	stream.indirect.scatter.add.bf16 [tilespmem:s18], [sflag:$0x3], $0x10, s31, s17, $0xb8;
	[tilespmem:$0xD800] =	vst v63  }
0x47: {  	_ =	swait.ge [sflag:s13], $0x800  }
0x48: {  	[sflag:s13] =	ssyncset.done $0x0  }
0x49: {  	s25 =	simm.s32 $0x180;
	s24 =	simm.s32 $0x400;
	[sflag:s13] =	ssyncadd.s32 $0xFFFFF800  }
.LBB2_4:
0x4a: {  	[tilespmem:s18], [sflag:$0x2] =	stream.indirect.gather [hbm4b:s11+s17], $0x10, s25, s17, $0xb8;
	[tilespmem:$0xD800] =	vst v63  }
0x4b: {  	s25 =	smov.u32 s24  }
0x4c: {  	p0 =	sne.s32 s24, $0x13800;
	s24 =	sadd.s32 $0x400, s24;
	_ =	swait.ge [sflag:s16], $0x800  }
0x4d: {  	s25 =	sshra.s32 s25, $0x2;
	[sflag:s16] =	ssyncset.done $0x0  }
0x4e: {  	s26 =	sadd.s32 $0x5000, s25;
	[sflag:s16] =	ssyncadd.s32 $0xFFFFF800  }
0x4f: {  	[spmem:s2] =	stream.indirect.scatter.add.bf16 [tilespmem:s15], [sflag:$0x3], $0x10, s26, s17, $0xb8;
	[tilespmem:$0xD800] =	vst v63  }
0x50: {  	_ =	swait.ge [sflag:s13], $0x800  }
0x51: {  	[sflag:s13] =	ssyncset.done $0x0  }
0x52: {  	s26 =	sadd.s32 $0x100, s25;
	[sflag:s13] =	ssyncadd.s32 $0xFFFFF800  }
0x53: {  	[tilespmem:s15], [sflag:$0x1] =	stream.indirect.gather [hbm4b:s11+s17], $0x10, s26, s17, $0xb8;
	[tilespmem:$0xD800] =	vst v63  }
0x54: {  	_ =	swait.ge [sflag:s19], $0x800  }
0x55: {  	[sflag:s19] =	ssyncset.done $0x0  }
.Ltmp1:
0x56: {  	s26 =	sadd.s32 $0x5080, s25;
	[sflag:s19] =	ssyncadd.s32 $0xFFFFF800;
	(pc) =	sbr.rel @p0 .LBB2_4-.Ltmp1, $4  }
0x57: {  	[spmem:s2] =	stream.indirect.scatter.add.bf16 [tilespmem:s18], [sflag:$0x3], $0x10, s26, s17, $0xb8;
	[tilespmem:$0xD800] =	vst v63  }
0x58: {  	_ =	swait.ge [sflag:s13], $0x800  }
0x59: {  	[sflag:s13] =	ssyncset.done $0x0  }
0x5a: {  	s25 =	sadd.s32 $0x180, s25;
	[sflag:s13] =	ssyncadd.s32 $0xFFFFF800  }
0x5b: {  	[tilespmem:s18], [sflag:$0x2] =	stream.indirect.gather [hbm4b:s11+s17], $0x10, s25, s17, $0xb8;
	[tilespmem:$0xD800] =	vst v63  }
0x5c: {  	_ =	swait.ge [sflag:s16], $0x800  }
0x5d: {  	[sflag:s16] =	ssyncset.done $0x0  }
0x5e: {  	[sflag:s16] =	ssyncadd.s32 $0xFFFFF800  }
0x5f: {  	[spmem:s2] =	stream.indirect.scatter.add.bf16 [tilespmem:s15], [sflag:$0x3], $0x10, s20, s17, $0xb8;
	[tilespmem:$0xD800] =	vst v63  }
0x60: {  	_ =	swait.ge [sflag:s13], $0x800  }
0x61: {  	[sflag:s13] =	ssyncset.done $0x0  }
0x62: {  	[sflag:s13] =	ssyncadd.s32 $0xFFFFF800  }
0x63: {  	_ =	swait.ge [sflag:s19], $0x800  }
0x64: {  	[sflag:s19] =	ssyncset.done $0x0  }
0x65: {  	[sflag:s19] =	ssyncadd.s32 $0xFFFFF800  }
0x66: {  	[spmem:s2] =	stream.indirect.scatter.add.bf16 [tilespmem:s18], [sflag:$0x3], $0x10, s21, s17, $0xb8;
	[tilespmem:$0xD800] =	vst v63  }
0x67: {  	_ =	swait.ge [sflag:s13], $0x800  }
0x68: {  	s24 =	sshll.u32 s1, $0x6;
	s23 =	sadd.s32 $0x1, s23;
	[sflag:s13] =	ssyncset.done $0x0  }
0x69: {  	s31 =	sshrl.u32 s6, $0x3;
	p0 =	sne.s32 s23, s12;
	[sflag:s13] =	ssyncadd.s32 $0xFFFFF800  }
.Ltmp2:
0x6a: {  	s24 =	sor.u32 $0x1C03, s24;
	[bflag:$0x0] =	sbarrier.arrive $0xFFFF;
	(pc) =	sbr.rel @p0 .LBB2_1-.Ltmp2, $4  }
0x6b: {  	[hbm:s22], [sflag:s24] =	dma.local [spmem:s31], $0x500  }
0x6c: {  	_ =	swait.ge [sflag:s13], $0x500  }
0x6d: {  	[sflag:s13] =	ssyncset.done $0x0  }
0x6e: {  	[sflag:s13] =	ssyncadd.s32 $0xFFFFFB00  }
0x6f: {  	_ =	sfence.sel $0x180000  }
0x70: {  	[bflag:$0x0] =	sbarrier.arrive $0xFFFF  }
0x71: {  	p0 =	sne.s32 s1, $0x0;
	_ =	strace $0x9000004D  }
0x72: {  	s0 =	sadd.s32 @!p0 $0x100000, s0;
	[bflag:$0x2] =	sbarrier.arrive $0xFFFF  }
0x73: {  	[sflag:s0] =	ssyncadd.tile.s32 @!p0 $0x1;
	_ =	shalt  }
.Lfunc_end2:
_tile_overlayer_lowered:
.L_overlay_start_2:
0x74: {  	(tag) =	ssettag $0x2  }
0x75: {  	s0 =	rddreg [dreg:$0x0];
	s2 =	stileid.u32  }
0x76: {  	s1 =	rddreg [dreg:$0x1];
	p0 =	sne.s32 s2, $0x0  }
0x77: {  	s3 =	rddreg [dreg:$0x2];
	[bflag:$0x3] =	sbarrier.arrive $0xFFFF;
	s2 =	simm.s32 @!p0 $0x1C03  }
0x78: {  	[timem:s3], [sflag:s2] =	dma.local @!p0 [hbm:s0], s1  }
0x79: {  	s0 =	simm.s32 @!p0 $0x3  }
0x7a: {  	_ =	swait.ge @!p0 [sflag:s0], s1  }
0x7b: {  	s1 =	ssub.s32 @!p0 $0x0, s1;
	[sflag:s0] =	ssyncset.done @!p0 $0x0  }
0x7c: {  	[sflag:s0] =	ssyncadd.s32 @!p0 s1  }
0x7d: {  	[bflag:$0x3] =	sbarrier.arrive $0xFFFF  }
0x7e: {  	_ =	shalt  }

// kernel: kernel.8.cloned.1.call-start
scs
__scs_entry_jumppad:
0x0: {  	(pc) =	sbr.rel $0x88, $3  }
0x1: {  	(tag) =	ssettag $0x0;
	lr =	simm.s32 $0x1  }
0x2: {  	[smem:$0x3F9B] =	sst lr;
	_ =	strace $0xD0000000  }
0x3: {  	_ = 	snop  }
0x4: {  	_ = 	snop  }
0x5: {  	_ = 	snop  }
0x6: {  	_ = 	snop  }
0x7: {  	_ = 	snop  }
__scs_overlays_trampoline_lowered:
0x8: {  	[smem:$0x3FAA] =	sst s0  }
0x9: {  	[smem:$0x3FAB] =	sst s1  }
0xa: {  	[smem:$0x3FAC] =	sst s2  }
0xb: {  	[smem:$0x3FAD] =	sst s3  }
0xc: {  	[smem:$0x3FAE] =	sst s4  }
0xd: {  	[smem:$0x3FAF] =	sst s5  }
0xe: {  	[smem:$0x3FB0] =	sst s6  }
0xf: {  	[smem:$0x3FB1] =	sst s7  }
0x10: {  	[smem:$0x3FB2] =	sst s8  }
0x11: {  	[smem:$0x3FB3] =	sst s9;
	s0 =	simm.s32 @!p0 $0x0  }
0x12: {  	s1 =	sld [smem:$0x3F99];
	s0 =	simm.s32 @p0 $0x1  }
0x13: {  	[smem:$0x3FB4] =	sst s0;
	s0 =	simm.s32 @!p1 $0x0  }
0x14: {  	s2 =	sld [smem:$0x3F98];
	s0 =	simm.s32 @p1 $0x1  }
0x15: {  	[smem:$0x3FB5] =	sst s0;
	s0 =	simm.s32 @!p2 $0x0  }
0x16: {  	s3 =	sld [smem:$0x3FDB];
	s0 =	simm.s32 @p2 $0x1  }
0x17: {  	s4 =	simm.s32 $0x1BF5;
	[smem:$0x3FB7] =	sst s0  }
0x18: {  	s0 =	sld [smem:$0x3F9A];
	_ =	swait.ge [sflag:s4], $0x0  }
0x19: {  	s7 =	sld [smem:$0x3F9B]  }
0x1a: {  	s8 =	sadd.s32 $0xFFFFE003, lr  }
0x1b: {  	s9 =	sadd.s32 $0xFFFFFEF7, lr;
	s5 =	simm.s32 $0xFFFFFFFF;
	p2 =	slt.u32 s8, $0xFFFFF086  }
0x1c: {  	p1 =	slt.u32 s9, $0xF7A;
	s5 =	simm.s32 @!p2 $0x0  }
0x1d: {  	s5 =	simm.s32 @p1 $0x1;
	p0 =	seq.s32 s7, s2  }
0x1e: {  	s7 =	smul.u32 @!p0 $0xF7A, s2;
	p2 =	seq.s32 @!p0 s5, $0x0  }
0x1f: {  	s9 =	smul.u32 $0xF7A, s1;
	s8 =	simm.s32 @!p0 $0x1BF5;
	p2 =	por !p2, p0  }
0x20: {  	[sflag:s8] =	ssyncset.s32 @!p0 $0xFFFFF086;
	s6 =	sadd.s32 @!p0 s3, s7;
	s7 =	simm.s32 @!p0 $0x108  }
0x21: {  	s3 =	sadd.s32 s3, s9;
	s6 =	sadd.s32 @!p0 $0x88, s6;
	s7 =	simm.s32 @p2 $0x1082  }
0x22: {  	[simem:s7], [sflag:s8] =	dma.local @!p0 [hbm:s6], $0xF7A  }
0x23: {  	s9 =	sor.u32 $0xD0000000, s2;
	s6 =	simm.s32 $0x108;
	_ =	swait.ge @!p0 [sflag:s8], $0x0  }
0x24: {  	s3 =	sadd.s32 $0x88, s3;
	s6 =	simm.s32 @!p1 $0x1082;
	[sflag:s4] =	ssyncset.s32 $0xFFFFF086  }
0x25: {  	[simem:s6], [sflag:s4] =	dma.local [hbm:s3], $0xF7A  }
0x26: {  	[smem:$0x3F9B] =	sst s1;
	(tag) =	ssettag s2;
	_ =	strace s9  }
0x27: {  	s1 =	sld [smem:$0x3FAB]  }
0x28: {  	s2 =	sld [smem:$0x3FAC]  }
0x29: {  	s4 =	sld [smem:$0x3FAE]  }
0x2a: {  	p0 =	seq.s32 s5, $0x0;
	s5 =	sld [smem:$0x3FAF]  }
0x2b: {  	s6 =	sld [smem:$0x3FB0]  }
0x2c: {  	s7 =	sld [smem:$0x3FB1]  }
0x2d: {  	s3 =	simm.s32 $0x108;
	s8 =	sld [smem:$0x3FB2]  }
0x2e: {  	s3 =	simm.s32 @!p0 $0x1082;
	s9 =	sld [smem:$0x3FB3]  }
0x2f: {  	lr =	sadd.s32 s0, s3;
	s0 =	sld [smem:$0x3FAA]  }
0x30: {  	s3 =	sld [smem:$0x3FAD]  }
0x31: {  	[smem:$0x3FB6] =	sst s10  }
0x32: {  	s10 =	sld [smem:$0x3FB4];
	_ =	sdelay $0x3  }
0x33: {  	p0 =	seq.s32 s10, $0x1;
	s10 =	sld [smem:$0x3FB6];
	_ =	sdelay $0x3  }
0x34: {  	[smem:$0x3FB6] =	sst s10  }
0x35: {  	s10 =	sld [smem:$0x3FB5];
	_ =	sdelay $0x3  }
0x36: {  	p1 =	seq.s32 s10, $0x1;
	s10 =	sld [smem:$0x3FB6];
	_ =	sdelay $0x3  }
0x37: {  	[smem:$0x3FB6] =	sst s10  }
0x38: {  	s10 =	sld [smem:$0x3FB7]  }
0x39: {  	_ = 	snop;
	(pc) =	sbr.ind lr, $3  }
0x3a: {  	_ = 	snop  }
0x3b: {  	_ = 	snop  }
0x3c: {  	p2 =	seq.s32 s10, $0x1;
	s10 =	sld [smem:$0x3FB6]  }
0x3d: {  	_ =	shalt  }
0x3e: {  	_ =	shalt  }
0x3f: {  	_ =	shalt  }
0x40: {  	_ =	shalt  }
0x41: {  	_ =	shalt  }
0x42: {  	_ =	shalt  }
0x43: {  	_ =	shalt  }
0x44: {  	_ =	shalt  }
0x45: {  	_ =	shalt  }
0x46: {  	_ =	shalt  }
0x47: {  	_ =	shalt  }
0x48: {  	_ =	shalt  }
0x49: {  	_ =	shalt  }
0x4a: {  	_ =	shalt  }
0x4b: {  	_ =	shalt  }
0x4c: {  	_ =	shalt  }
0x4d: {  	_ =	shalt  }
0x4e: {  	_ =	shalt  }
0x4f: {  	_ =	shalt  }
0x50: {  	_ =	shalt  }
0x51: {  	_ =	shalt  }
0x52: {  	_ =	shalt  }
0x53: {  	_ =	shalt  }
0x54: {  	_ =	shalt  }
0x55: {  	_ =	shalt  }
0x56: {  	_ =	shalt  }
0x57: {  	_ =	shalt  }
0x58: {  	_ =	shalt  }
0x59: {  	_ =	shalt  }
0x5a: {  	_ =	shalt  }
0x5b: {  	_ =	shalt  }
0x5c: {  	_ =	shalt  }
0x5d: {  	_ =	shalt  }
0x5e: {  	_ =	shalt  }
0x5f: {  	_ =	shalt  }
0x60: {  	_ =	shalt  }
0x61: {  	_ =	shalt  }
0x62: {  	_ =	shalt  }
0x63: {  	_ =	shalt  }
0x64: {  	_ =	shalt  }
0x65: {  	_ =	shalt  }
0x66: {  	_ =	shalt  }
0x67: {  	_ =	shalt  }
0x68: {  	_ =	shalt  }
0x69: {  	_ =	shalt  }
0x6a: {  	_ =	shalt  }
0x6b: {  	_ =	shalt  }
0x6c: {  	_ =	shalt  }
0x6d: {  	_ =	shalt  }
0x6e: {  	_ =	shalt  }
0x6f: {  	_ =	shalt  }
0x70: {  	_ =	shalt  }
0x71: {  	_ =	shalt  }
0x72: {  	_ =	shalt  }
0x73: {  	_ =	shalt  }
0x74: {  	_ =	shalt  }
0x75: {  	_ =	shalt  }
0x76: {  	_ =	shalt  }
0x77: {  	_ =	shalt  }
0x78: {  	_ =	shalt  }
0x79: {  	_ =	shalt  }
0x7a: {  	_ =	shalt  }
0x7b: {  	_ =	shalt  }
0x7c: {  	_ =	shalt  }
0x7d: {  	_ =	shalt  }
0x7e: {  	_ =	shalt  }
0x7f: {  	_ =	shalt  }
0x80: {  	_ =	shalt  }
0x81: {  	_ =	shalt  }
0x82: {  	_ =	shalt  }
0x83: {  	_ =	shalt  }
0x84: {  	_ =	shalt  }
0x85: {  	_ =	shalt  }
0x86: {  	_ =	shalt  }
0x87: {  	_ =	shalt  }
.Lfunc_end0:
.L_simem_size_0:
called_computation_lowered:
.L_overlay_start_0:
0x88: {  	s2 =	sld [smem:$0x3FD9]  }
0x89: {  	s3 =	sld [smem:$0x3FFE];
	_ =	sdelay $0x1  }
0x8a: {  	s1 =	srdreg.scid  }
0x8b: {  	s0 =	sand.u32 $0x1, s1  }
0x8c: {  	s17 =	sshll.u32 s0, $0xA;
	s2 =	sadd.s32 s3, s2  }
0x8d: {  	s2 =	sadd.s32 s2, s17  }
0x8e: {  	[smem:$0x3FC2] =	sst s2  }
0x8f: {  	_ = 	snop  }
0x90: {  	s2 =	sld [smem:$0x3FD0];
	(tm) =	ssettm $0x1  }
0x91: {  	s18 =	sld [smem:$0x3FFB];
	_ =	sdelay $0x3  }
0x92: {  	_ =	strace s18  }
0x93: {  	s3 =	sld [smem:$0x3FFC];
	_ =	sdelay $0x3  }
0x94: {  	_ =	strace s3  }
0x95: {  	s3 =	sld [smem:$0x3FFD];
	_ =	sdelay $0x3  }
0x96: {  	_ =	strace s3  }
0x97: {  	_ =	strace $0x8FFFFFFF  }
0x98: {  	s19 =	sld [smem:$0x3FDB];
	_ =	sdelay $0x1  }
0x99: {  	s4 =	simm.s32 $_scs_section_size  }
0x9a: {  	s5 =	simm.s32 $_size__tile_overlayer_lowered;
	s6 =	simm.s32 $_tile_overlayer_lowered  }
0x9b: {  	s22 =	simm.s32 $0x1BFF;
	s21 =	sshll.u32 s6, $0x1;
	s3 =	sadd.s32 s4, s19  }
0x9c: {  	s7 =	simm.s32 $0x0;
	s20 =	sshll.u32 s5, $0x1;
	s5 =	sadd.s32 s21, s3  }
0x9d: {  	[timem:s7], [sflag:s22] =	dma.local [hbm:s5], s20  }
0x9e: {  	_ =	swait.ge [sflag:s22], s20  }
0x9f: {  	s4 =	ssub.s32 $0x0, s20;
	[sflag:s22] =	ssyncset.done $0x0  }
0xa0: {  	[sflag:s22] =	ssyncadd.s32 s4;
	_ =	sdelay $0x1  }
0xa1: {  	s23 =	simm.s32 $0x1B8B  }
0xa2: {  	_ =	swait.ge [sflag:s23], $0x1  }
0xa3: {  	[sflag:s23] =	ssyncset.done $0x0  }
0xa4: {  	s25 =	simm.s32 $0x1B8E;
	s24 =	sld [smem:$0x3FFE];
	[sflag:s23] =	ssyncadd.s32 $0xFFFFFFFF  }
0xa5: {  	s26 =	simm.s32 $execute0_lowered;
	[smem:$0x3FD2] =	sst s25  }
0xa6: {  	s5 =	sshll.u32 s26, $0x1;
	_ =	strace $0x80000046;
	[dreg:$0x1] =	wrdreg $0xFFFFFFFF  }
0xa7: {  	s28 =	simm.s32 $_size_execute0_lowered;
	s3 =	sadd.s32 s3, s5;
	[dreg:$0x0] =	wrdreg $0x0  }
0xa8: {  	s5 =	sshll.u32 s28, $0x1;
	[dreg:$0x2] =	wrdreg s3  }
0xa9: {  	[dreg:$0x3] =	wrdreg s5  }
0xaa: {  	[dreg:$0x4] =	wrdreg $0xC0  }
0xab: {  	_ =	task [dreg:s7], $0x5FFFF  }
0xac: {  	[dreg:$0x1] =	wrdreg $0xFFFFFFFF  }
0xad: {  	[dreg:$0x0] =	wrdreg $0x60  }
0xae: {  	[dreg:$0x2] =	wrdreg s2  }
0xaf: {  	[dreg:$0x3] =	wrdreg s24  }
0xb0: {  	[dreg:$0x4] =	wrdreg $0x30000  }
0xb1: {  	[dreg:$0x5] =	wrdreg $0x9  }
0xb2: {  	_ =	task.clear_ibuf [dreg:s7], $0x6FFFF;
	_ =	strace $0x90000046  }
0xb3: {  	s29 =	simm.s32 $0x9;
	_ =	strace $0x80000048  }
0xb4: {  	_ =	swait.ge [sflag:s29], $0x1  }
0xb5: {  	[sflag:s29] =	ssyncadd.s32 $0xFFFFFFFF  }
0xb6: {  	_ =	strace $0x90000048  }
0xb7: {  	_ =	sfence  }
0xb8: {  	s30 =	sld [smem:$0x0];
	_ =	sdelay $0x2  }
0xb9: {  	s31 =	sshll.u32 s1, $0xD;
	s1 =	sshrl.u32 s1, $0x2  }
0xba: {  	s3 =	sand.u32 $0x4000, s31;
	s1 =	sadd.s32 s1, s30  }
0xbb: {  	s0 =	sor.u32 s3, s0;
	s1 =	sshll.u32 s1, $0x11  }
0xbc: {  	s0 =	sor.u32 s1, s0  }
0xbd: {  	s0 =	sadd.s32 $0x8F2B, s0  }
0xbe: {  	[sflag:s0] =	ssyncadd.remote.s32 $0x1  }
0xbf: {  	_ =	sfence.sel $0xFFFF  }
0xc0: {  	[dreg:$0x0] =	wrdreg $0xFFFFFFFF;
	(pc) =	sbr.abs _section_cstart, $3  }
0xc1: {  	[dreg:$0x1] =	wrdreg $0xFFFFFFFF  }
0xc2: {  	_ =	task.clear_ibuf [dreg:s7], $0x2FFFF;
	_ =	strace $0x9FFFFFFF  }
0xc3: {  	(tm) =	ssettm $0x7FFFFFFF  }
tec
execute0_lowered:
.L_overlay_start_1:
0x0: {  	(tag) =	ssettag $0x1  }
0x1: {  	s4 =	rddreg [dreg:$0x0]  }
0x2: {  	s0 =	srdreg.scid;
	s6 =	rddreg [dreg:$0x1]  }
0x3: {  	s2 =	rddreg [dreg:$0x2];
	s3 =	simm.s32 $0x0;
	s5 =	sand.u32 $0x1, s0  }
0x4: {  	s13 =	simm.s32 $0x80;
	s0 =	stileid.u32;
	s7 =	smul.u32 $0x5000, s5  }
0x5: {  	s17 =	simm.s32 $0x0;
	[smem:$0x7FF] =	sst s3;
	s9 =	smul.u32 $0xA000, s0  }
0x6: {  	s1 =	sshll.u32 s5, $0x4;
	s5 =	ssub.s32 $0x2, s5;
	s11 =	smul.u32 $0x2800, s0  }
0x7: {  	s31 =	sshll.u32 s0, $0x6;
	s8 =	sor.u32 s0, s1;
	s1 =	rddreg [dreg:$0x3]  }
0x8: {  	_ =	strace $0x80000047;
	s10 =	sshrl.u32 s5, $0x1;
	s8 =	smul.u32 $0x500, s8  }
0x9: {  	s12 =	sadd.s32 s7, s6;
	s10 =	ssub.s32 s5, s10;
	s30 =	sshrl.u32 s9, $0x2  }
0xa: {  	s5 =	sadd.s32 s11, s2;
	s15 =	sshrl.u32 s11, $0x3;
	s11 =	simm.s32 $0x1  }
0xb: {  	s9 =	sadd.s32 s30, s2;
	s14 =	sadd.s32 $0x2000, s12;
	s10 =	smax.u32 s10, $0x1  }
0xc: {  	s12 =	simm.s32 $0x2800;
	s16 =	sshrl.u32 s5, $0x3;
	s4 =	sadd.s32 s4, s8  }
0xd: {  	s6 =	sadd.s32 $0x800, s9;
	s7 =	sadd.s32 $0x1000, s9;
	s8 =	sadd.s32 $0x1800, s9  }
0xe: {  	v0 =	vimm.f32 $0.0e+00;
	v1 =	vimm.f32 $1.000000000e+00;
	s9 =	sadd.s32 $0x2000, s9;
	s14 =	sadd.s32 s15, s14;
	s15 =	sor.u32 $0x1C01, s31  }
.LBB2_1:
0xf: {  	[tilespmem:s3], [sflag:$0x1] =	stream.linear.gather [hbm4b:s4+s3], $0x2800, $0x38;
	[tilespmem:$0x5800] =	vst v63  }
0x10: {  	_ =	swait.ge [sflag:s11], $0x2800  }
0x11: {  	[sflag:s11] =	ssyncset.done $0x0  }
0x12: {  	s18 =	simm.s32 $0x40;
	s19 =	simm.s32 $0x0;
	[sflag:s11] =	ssyncadd.s32 $0xFFFFD800  }
.LBB2_2:
0x13: {  	p0 =	sne.s32 s18, $0x1FC0;
	[tilespmem:s19+$0x2800] =	vst v0;
	s19 =	smov.u32 s18;
	s18 =	sadd.s32 $0x40, s18  }
.Ltmp0:
0x14: {  	(pc) =	sbr.rel @p0 .LBB2_2-.Ltmp0, $2  }
0x15: {  	_ =	sdelay $0x2  }
0x16: {  	s19 =	sshra.s32 s19, $0x2  }
0x17: {  	[tilespmem:s19+$0x2800] =	vst v0  }
0x18: {  	[spmem:s5] =	stream.linear.scatter [tilespmem:s12], [sflag:$0x1], $0x800, $0x38;
	[tilespmem:$0x5800] =	vst v63  }
0x19: {  	_ =	swait.ge [sflag:s11], $0x800  }
0x1a: {  	[sflag:s11] =	ssyncset.done $0x0  }
0x1b: {  	[sflag:s11] =	ssyncadd.s32 $0xFFFFF800  }
0x1c: {  	[spmem:s6] =	stream.linear.scatter [tilespmem:s12], [sflag:$0x1], $0x800, $0x38;
	[tilespmem:$0x5800] =	vst v63  }
0x1d: {  	_ =	swait.ge [sflag:s11], $0x800  }
0x1e: {  	[sflag:s11] =	ssyncset.done $0x0  }
0x1f: {  	[sflag:s11] =	ssyncadd.s32 $0xFFFFF800  }
0x20: {  	[spmem:s7] =	stream.linear.scatter [tilespmem:s12], [sflag:$0x1], $0x800, $0x38;
	[tilespmem:$0x5800] =	vst v63  }
0x21: {  	_ =	swait.ge [sflag:s11], $0x800  }
0x22: {  	[sflag:s11] =	ssyncset.done $0x0  }
0x23: {  	[sflag:s11] =	ssyncadd.s32 $0xFFFFF800  }
0x24: {  	[spmem:s8] =	stream.linear.scatter [tilespmem:s12], [sflag:$0x1], $0x800, $0x38;
	[tilespmem:$0x5800] =	vst v63  }
0x25: {  	_ =	swait.ge [sflag:s11], $0x800  }
0x26: {  	[sflag:s11] =	ssyncset.done $0x0  }
0x27: {  	[sflag:s11] =	ssyncadd.s32 $0xFFFFF800  }
0x28: {  	[spmem:s9] =	stream.linear.scatter [tilespmem:s12], [sflag:$0x1], $0x800, $0x38;
	[tilespmem:$0x5800] =	vst v63  }
0x29: {  	_ =	swait.ge [sflag:s11], $0x800  }
0x2a: {  	[sflag:s11] =	ssyncset.done $0x0  }
0x2b: {  	[sflag:s11] =	ssyncadd.s32 $0xFFFFF800  }
0x2c: {  	s18 =	simm.s32 $0x40;
	s19 =	simm.s32 $0x0;
	[bflag:$0x0] =	sbarrier.arrive $0xFFFF  }
.LBB2_4:
0x2d: {  	p0 =	sne.s32 s18, $0x1FC0;
	[tilespmem:s19+$0x2800] =	vst v1;
	s19 =	smov.u32 s18;
	s18 =	sadd.s32 $0x40, s18  }
.Ltmp1:
0x2e: {  	(pc) =	sbr.rel @p0 .LBB2_4-.Ltmp1, $2  }
0x2f: {  	_ =	sdelay $0x2  }
0x30: {  	s19 =	sshra.s32 s19, $0x2  }
0x31: {  	[tilespmem:s19+$0x2800] =	vst v1;
	s18 =	simm.s32 $0x0  }
0x32: {  	[spmem:s2] =	stream.indirect.scatter.add.f32 [tilespmem:s12], [sflag:$0x1], $0x10, s18, s13, $0xb8;
	[tilespmem:$0x5800] =	vst v63  }
0x33: {  	_ =	swait.ge [sflag:s11], $0x800  }
0x34: {  	s18 =	simm.s32 $0x200;
	[sflag:s11] =	ssyncset.done $0x0  }
.LBB2_6:
0x35: {  	s19 =	sshra.s32 s18, $0x2;
	[sflag:s11] =	ssyncadd.s32 $0xFFFFF800;
	p0 =	sne.s32 s18, $0x9E00  }
0x36: {  	[spmem:s2] =	stream.indirect.scatter.add.f32 [tilespmem:s12], [sflag:$0x1], $0x10, s19, s13, $0xb8;
	[tilespmem:$0x5800] =	vst v63  }
.Ltmp2:
0x37: {  	_ = 	snop;
	(pc) =	sbr.rel @p0 .LBB2_6-.Ltmp2, $4  }
0x38: {  	_ = 	snop  }
0x39: {  	s18 =	sadd.s32 $0x200, s18  }
0x3a: {  	_ =	swait.ge [sflag:s11], $0x800  }
0x3b: {  	[sflag:s11] =	ssyncset.done $0x0  }
0x3c: {  	s17 =	sadd.s32 $0x1, s17  }
0x3d: {  	[sflag:s11] =	ssyncadd.s32 $0xFFFFF800;
	p0 =	sne.s32 s17, s10  }
.Ltmp3:
0x3e: {  	[bflag:$0x0] =	sbarrier.arrive $0xFFFF;
	(pc) =	sbr.rel @p0 .LBB2_1-.Ltmp3, $4  }
0x3f: {  	[hbm:s14], [sflag:s15] =	dma.local [spmem:s16], $0x500  }
0x40: {  	_ =	swait.ge [sflag:s11], $0x500  }
0x41: {  	[sflag:s11] =	ssyncset.done $0x0  }
0x42: {  	[sflag:s11] =	ssyncadd.s32 $0xFFFFFB00  }
0x43: {  	_ =	sfence.sel $0x180000  }
0x44: {  	[bflag:$0x0] =	sbarrier.arrive $0xFFFF  }
0x45: {  	p0 =	sne.s32 s0, $0x0;
	_ =	strace $0x90000047  }
0x46: {  	s0 =	sadd.s32 @!p0 $0x100000, s1;
	[bflag:$0x2] =	sbarrier.arrive $0xFFFF  }
0x47: {  	[sflag:s0] =	ssyncadd.tile.s32 @!p0 $0x1;
	_ =	shalt  }
.Lfunc_end2:
_tile_overlayer_lowered:
.L_overlay_start_2:
0x48: {  	(tag) =	ssettag $0x2  }
0x49: {  	s0 =	rddreg [dreg:$0x0];
	s2 =	stileid.u32  }
0x4a: {  	s1 =	rddreg [dreg:$0x1];
	p0 =	sne.s32 s2, $0x0  }
0x4b: {  	s3 =	rddreg [dreg:$0x2];
	[bflag:$0x3] =	sbarrier.arrive $0xFFFF;
	s2 =	simm.s32 @!p0 $0x1C01  }
0x4c: {  	[timem:s3], [sflag:s2] =	dma.local @!p0 [hbm:s0], s1  }
0x4d: {  	s0 =	simm.s32 @!p0 $0x1  }
0x4e: {  	_ =	swait.ge @!p0 [sflag:s0], s1  }
0x4f: {  	s1 =	ssub.s32 @!p0 $0x0, s1;
	[sflag:s0] =	ssyncset.done @!p0 $0x0  }
0x50: {  	[sflag:s0] =	ssyncadd.s32 @!p0 s1  }
0x51: {  	[bflag:$0x3] =	sbarrier.arrive $0xFFFF  }
0x52: {  	_ =	shalt  }

</sc_bundles>
